<compile_context>
chip_gen: v7x
topology: tpu7x:2x2x1
jax: 0.10.2.dev20260603
libtpu: 0.0.44.dev20260713+nightly
codegen_flags: <defaults>
</compile_context>

<pallas_src>
import functools

import jax
import jax.numpy as jnp
from jax import lax
from jax.experimental import pallas as pl
from jax.experimental.pallas import tpu as pltpu
from jax.experimental.pallas import tpu_sc as plsc

N = 10000
E = 160000
F = 16
FA = 2 * F

NC, NS = 2, 16
NW = NC * NS
EPW = E // NW
SCHUNK = 1000
RPT = N // NS

PK = 8
EP = E // PK
BP = 1000
ZW = PK * F * F
OW = PK * FA

_sc_mesh = plsc.VectorSubcoreMesh(
    core_axis_name="c", subcore_axis_name="s", num_cores=NC, num_subcores=NS)



def _gather_body(v_hbm, ei_hbm, xj_hbm, idx_v, rows_v, sem):
    c = lax.axis_index("c")
    s = lax.axis_index("s")
    wid = s * NC + c
    base = pl.multiple_of(wid * EPW, 8)
    pltpu.sync_copy(ei_hbm.at[0, pl.ds(base, EPW)], idx_v)
    pltpu.async_copy(v_hbm.at[idx_v], rows_v, sem).wait()
    pltpu.sync_copy(rows_v, xj_hbm.at[pl.ds(base, EPW)])


_gather = pl.kernel(
    _gather_body,
    out_type=jax.ShapeDtypeStruct((E, F), jnp.float32),
    mesh=_sc_mesh,
    compiler_params=pltpu.CompilerParams(use_tc_tiling_on_sc=False),
    scratch_types=[
        pltpu.VMEM((EPW,), jnp.int32),
        pltpu.VMEM((EPW, F), jnp.float32),
        pltpu.SemaphoreType.DMA,
    ],
)



def _msg_body(xj_ref, e_ref, r8_ref, t8_ref, w8_ref, b8_ref, c8_ref, out_ref):
    xj8 = xj_ref[...].reshape(BP, PK * F)
    e8 = e_ref[...].reshape(BP, PK * F)
    xr = jnp.dot(xj8, r8_ref[...], preferred_element_type=jnp.float32)
    et = jnp.dot(e8, t8_ref[...], preferred_element_type=jnp.float32)
    z8 = xr * et
    m8 = (jnp.dot(z8, w8_ref[...], preferred_element_type=jnp.float32)
          + jnp.dot(xj8, b8_ref[...], preferred_element_type=jnp.float32))
    m8 = m8 + c8_ref[0:1, :]
    out_ref[...] = m8.reshape(BP * OW)


def _messages(xj8, e8, r8, t8, w8, b8, c8):
    return pl.pallas_call(
        _msg_body,
        grid=(EP // BP,),
        in_specs=[
            pl.BlockSpec((BP * PK * F,), lambda i: (i,)),
            pl.BlockSpec((BP * PK * F,), lambda i: (i,)),
            pl.BlockSpec((PK * F, ZW), lambda i: (0, 0)),
            pl.BlockSpec((PK * F, ZW), lambda i: (0, 0)),
            pl.BlockSpec((ZW, OW), lambda i: (0, 0)),
            pl.BlockSpec((PK * F, OW), lambda i: (0, 0)),
            pl.BlockSpec((8, OW), lambda i: (0, 0)),
        ],
        out_specs=pl.BlockSpec((BP * OW,), lambda i: (i,)),
        out_shape=jax.ShapeDtypeStruct((EP * OW,), jnp.float32),
    )(xj8, e8, r8, t8, w8, b8, c8)



def _scatter_body(msg_hbm, ei_hbm, zero_hbm, part_hbm, acc_sh, idx_v, msg_v,
                  sem):
    c = lax.axis_index("c")
    s = lax.axis_index("s")
    wid = s * NC + c
    rbase = pl.multiple_of(s * RPT, 8)
    pltpu.sync_copy(zero_hbm, acc_sh.at[pl.ds(rbase, RPT)])
    plsc.subcore_barrier()

    def chunk(j, carry):
        base = pl.multiple_of(wid * EPW + j * SCHUNK, 8)
        pltpu.sync_copy(ei_hbm.at[1, pl.ds(base, SCHUNK)], idx_v)
        pltpu.sync_copy(msg_hbm.at[pl.ds(base, SCHUNK)], msg_v)
        pltpu.sync_copy(msg_v, acc_sh.at[idx_v], add=True)
        return carry

    lax.fori_loop(0, EPW // SCHUNK, chunk, 0)
    plsc.subcore_barrier()
    pltpu.sync_copy(acc_sh.at[pl.ds(rbase, RPT)],
                    part_hbm.at[c, pl.ds(rbase, RPT)])


_scatter = pl.kernel(
    _scatter_body,
    out_type=jax.ShapeDtypeStruct((NC, N, FA), jnp.float32),
    mesh=_sc_mesh,
    compiler_params=pltpu.CompilerParams(use_tc_tiling_on_sc=False),
    scratch_types=[
        pltpu.VMEM_SHARED((N, FA), jnp.float32),
        pltpu.VMEM((SCHUNK,), jnp.int32),
        pltpu.VMEM((SCHUNK, FA), jnp.float32),
        pltpu.SemaphoreType.DMA,
    ],
)



NPK = N // PK


def _final_body(part_ref, vl_ref, sel_s_ref, sel_c_ref, r8root_ref, b_ref,
                out_ref):
    p = part_ref[...].reshape(2 * NPK, OW)
    psum = p[0:NPK, :] + p[NPK:2 * NPK, :]
    s_pk = jnp.dot(psum, sel_s_ref[...], preferred_element_type=jnp.float32)
    cnt_pk = jnp.dot(psum, sel_c_ref[...], preferred_element_type=jnp.float32)
    mean = s_pk / jnp.maximum(cnt_pk, 1.0)
    v_pk = vl_ref[...].reshape(NPK, PK * F)
    rt = jnp.dot(v_pk, r8root_ref[...], preferred_element_type=jnp.float32)
    out_ref[...] = mean + rt + b_ref[0:1, :]


def _final(part_flat, vl_flat, sel_s, sel_c, r8root, brow):
    return pl.pallas_call(
        _final_body,
        out_shape=jax.ShapeDtypeStruct((NPK, PK * F), jnp.float32),
    )(part_flat, vl_flat, sel_s, sel_c, r8root, brow)



def kernel(v, e, edge_index, W_enet, b_enet, root, bias):
    ei = edge_index.astype(jnp.int32)
    wr = jnp.transpose(W_enet.reshape(F, F, F), (1, 0, 2)).reshape(F * F, F)
    bm = b_enet.reshape(F, F)
    eye8 = jnp.eye(PK, dtype=jnp.float32)
    eye16 = jnp.eye(F, dtype=jnp.float32)
    ones_row = jnp.ones((1, F), jnp.float32)
    rmat = jnp.kron(eye16, ones_row)
    tmat = jnp.kron(ones_row, eye16)
    wr32 = jnp.pad(wr, ((0, 0), (0, F)))
    bm32 = jnp.pad(bm, ((0, 0), (0, F)))
    r8 = jnp.kron(eye8, rmat)
    t8 = jnp.kron(eye8, tmat)
    w8 = jnp.kron(eye8, wr32)
    b8 = jnp.kron(eye8, bm32)
    crow = jnp.kron(jnp.ones((PK,), jnp.float32),
                    (jnp.arange(FA) == F).astype(jnp.float32))
    c8 = jnp.broadcast_to(crow, (8, OW))
    zero = jnp.zeros((RPT, FA), jnp.float32)
    sel1 = jnp.concatenate([eye16, jnp.zeros((F, F), jnp.float32)], axis=0)
    selc1 = (jnp.arange(FA)[:, None] == F).astype(jnp.float32) * jnp.ones(
        (1, F), jnp.float32)
    sel_s = jnp.kron(eye8, sel1)
    sel_c = jnp.kron(eye8, selc1)
    r8root = jnp.kron(eye8, root)
    brow = jnp.broadcast_to(jnp.kron(jnp.ones((PK,), jnp.float32), bias),
                            (8, PK * F))

    xj = _gather(v, ei)
    msg8 = _messages(xj.reshape(E * F), e.reshape(E * F),
                     r8, t8, w8, b8, c8)
    part = _scatter(msg8.reshape(E, FA), ei, zero)
    out_pk = _final(part.reshape(NC * N * FA), v.reshape(N * F),
                    sel_s, sel_c, r8root, brow)
    return out_pk.reshape(N, F)

# --- scband reference (transcript-rebuilt; emitter-appended) ---
"""Pipeline reference for scband-gnnlayer-70875550319239 (READ-ONLY COPY).

The authoritative reference and input builder live on the scoring server;
editing this copy changes nothing except your own understanding.
"""

import jax, jax.numpy as jnp
import numpy as np

N_NODES = 10000
N_EDGES = 160000
IN_V = 16
OUT_V = 16
IN_E = 16

def setup_inputs(seed: int = 0) -> dict:
    key = jax.random.key(seed)
    k1, k2, k3, k4, k5, k6 = jax.random.split(key, 6)
    v = jax.random.normal(k1, (N_NODES, IN_V), dtype=jnp.float32)
    e = jax.random.normal(k2, (N_EDGES, IN_E), dtype=jnp.float32)
    edge_index = jax.random.randint(k3, (2, N_EDGES), 0, N_NODES, dtype=jnp.int64)
    # enet: nn.Linear(in_efeat, in_vfeat*out_vfeat)
    W_enet = jax.random.normal(k4, (IN_E, IN_V * OUT_V), dtype=jnp.float32) * (1.0 / np.sqrt(IN_E))
    b_enet = jnp.zeros((IN_V * OUT_V,), dtype=jnp.float32)
    # NNConv root weight + bias (defaults root_weight=True, bias=True)
    root = jax.random.normal(k5, (IN_V, OUT_V), dtype=jnp.float32) * (1.0 / np.sqrt(IN_V))
    bias = jnp.zeros((OUT_V,), dtype=jnp.float32)
    return {"v": v, "e": e, "edge_index": edge_index, "W_enet": W_enet, "b_enet": b_enet, "root": root, "bias": bias}

def reference(v, e, edge_index, W_enet, b_enet, root, bias):
    src = edge_index[0]
    dst = edge_index[1]
    # edge network -> per-edge [in, out] weight matrices
    w = (e @ W_enet + b_enet).reshape(-1, IN_V, OUT_V)
    # gather source node features
    xj = jnp.take(v, src, axis=0)
    # per-edge message: x_j @ W_e
    msg = jnp.einsum('ei,eio->eo', xj, w)
    # mean aggregation at destination nodes
    summed = jax.ops.segment_sum(msg, dst, num_segments=N_NODES)
    cnt = jax.ops.segment_sum(jnp.ones((N_EDGES,), dtype=jnp.float32), dst, num_segments=N_NODES)
    mean = summed / jnp.clip(cnt, 1.0, None)[:, None]
    # root transform + bias; bn/act/dp are Identity per init_kwargs
    out = mean + v @ root + bias
    return out

if __name__ == "__main__":
    import jax
    _d = setup_inputs()
    print(jax.jit(kernel)(*tuple(_d.values())))

</pallas_src>

<mosaic_0001>
#map = affine_map<(d0, d1) -> (0, 0)>
#map1 = affine_map<(d0, d1) -> (0, 0, 0)>
module attributes {stable_mosaic.version = 14 : i64} {
  func.func @_scatter_body(%arg0: i32, %arg1: i32, %arg2: memref<160000x32xf32, #tpu.memory_space<hbm>>, %arg3: memref<2x160000xi32, #tpu.memory_space<hbm>>, %arg4: memref<625x32xf32, #tpu.memory_space<hbm>>, %arg5: memref<2x10000x32xf32, #tpu.memory_space<hbm>>, %arg6: memref<10000x32xf32, #tpu.memory_space<vmem_shared>>, %arg7: memref<1000xi32, #tpu.memory_space<vmem>>, %arg8: memref<1000x32xf32, #tpu.memory_space<vmem>>, %arg9: memref<!tpu.dma_semaphore, #tpu.memory_space<semaphore_mem>>) attributes {dimension_semantics = [#tpu.dimension_semantics<core_parallel>, #tpu.dimension_semantics<subcore_parallel>], iteration_bounds = array<i64: 2, 16>, scalar_prefetch = 0 : i64, scratch_operands = 4 : i64, tpu.core_type = #tpu.core_type<sc_vector_subcore>, window_params = [{transform_indices = #map}, {transform_indices = #map}, {transform_indices = #map}, {transform_indices = #map1}]} {
    %mul3A = arith.constant 2 : i32
    %mul3A_0 = arith.muli %arg1, %mul3A : i32
    %add3A = arith.addi %mul3A_0, %arg0 : i32
    %mul3A_1 = arith.constant 625 : i32
    %mul3A_2 = arith.muli %arg1, %mul3A_1 : i32
    %multiple_of3A = tpu.assume_multiple %mul3A_2, 8 : i32
    "tpu.region"() ({
      %run_scoped3A = tpu.sem_alloc : memref<!tpu.dma_semaphore, #tpu.memory_space<semaphore_mem>>
      %dma_start3A = arith.constant 0 : i32
      %dma_start3A_9 = tpu.memref_slice %arg6[%multiple_of3A, %dma_start3A] : memref<10000x32xf32, #tpu.memory_space<vmem_shared>> -> memref<625x32xf32, #tpu.memory_space<vmem_shared>>
      tpu.enqueue_dma source(%arg4 : memref<625x32xf32, #tpu.memory_space<hbm>>) target(%dma_start3A_9 : memref<625x32xf32, #tpu.memory_space<vmem_shared>>) target_semaphore(%run_scoped3A : memref<!tpu.dma_semaphore, #tpu.memory_space<semaphore_mem>>)
      %dma_wait3A = arith.constant 0 : i32
      %dma_wait3A_10 = tpu.memref_slice %arg6[%multiple_of3A, %dma_wait3A] : memref<10000x32xf32, #tpu.memory_space<vmem_shared>> -> memref<625x32xf32, #tpu.memory_space<vmem_shared>>
      tpu.wait_dma2 semaphore(%run_scoped3A : memref<!tpu.dma_semaphore, #tpu.memory_space<semaphore_mem>>) src(%arg4 : memref<625x32xf32, #tpu.memory_space<hbm>>) dst(%dma_wait3A_10 : memref<625x32xf32, #tpu.memory_space<vmem_shared>>)
      tpu.yield
    }) : () -> ()
    %barrier3A = arith.constant 0 : index
    tpu.barrier barrier_id(%barrier3A)
    %scan3A = arith.constant 0 : i32
    %scan3A_3 = arith.constant 0 : i32
    %scan3A_4 = arith.constant 5 : i32
    %scan3A_5 = arith.addi %scan3A_3, %scan3A_4 : i32
    %scan3A_6 = arith.constant 1 : i32
    scf.for %scan3A_9 = %scan3A_3 to %scan3A_5 step %scan3A_6  : i32 {
      %mul3A_10 = arith.constant 5000 : i32
      %mul3A_11 = arith.muli %add3A, %mul3A_10 : i32
      %mul3A_12 = arith.constant 1000 : i32
      %mul3A_13 = arith.muli %scan3A_9, %mul3A_12 : i32
      %add3A_14 = arith.addi %mul3A_11, %mul3A_13 : i32
      %multiple_of3A_15 = tpu.assume_multiple %add3A_14, 8 : i32
      %run_scoped3A = arith.constant 1 : i32
      "tpu.region"() ({
        %run_scoped3A_16 = tpu.sem_alloc : memref<!tpu.dma_semaphore, #tpu.memory_space<semaphore_mem>>
        %dma_start3A = tpu.memref_slice %arg3[%run_scoped3A, %multiple_of3A_15] : memref<2x160000xi32, #tpu.memory_space<hbm>> -> memref<1x1000xi32, #tpu.memory_space<hbm>>
        %dma_start3A_17 = tpu.memref_squeeze %dma_start3A : memref<1x1000xi32, #tpu.memory_space<hbm>> -> memref<1000xi32, #tpu.memory_space<hbm>>
        %dma_start3A_18 = tpu.memref_slice %arg3[%run_scoped3A, %multiple_of3A_15] : memref<2x160000xi32, #tpu.memory_space<hbm>> -> memref<1x1000xi32, #tpu.memory_space<hbm>>
        %dma_start3A_19 = tpu.memref_squeeze %dma_start3A_18 : memref<1x1000xi32, #tpu.memory_space<hbm>> -> memref<1000xi32, #tpu.memory_space<hbm>>
        tpu.enqueue_dma source(%dma_start3A_19 : memref<1000xi32, #tpu.memory_space<hbm>>) target(%arg7 : memref<1000xi32, #tpu.memory_space<vmem>>) target_semaphore(%run_scoped3A_16 : memref<!tpu.dma_semaphore, #tpu.memory_space<semaphore_mem>>)
        %dma_wait3A = tpu.memref_slice %arg3[%run_scoped3A, %multiple_of3A_15] : memref<2x160000xi32, #tpu.memory_space<hbm>> -> memref<1x1000xi32, #tpu.memory_space<hbm>>
        %dma_wait3A_20 = tpu.memref_squeeze %dma_wait3A : memref<1x1000xi32, #tpu.memory_space<hbm>> -> memref<1000xi32, #tpu.memory_space<hbm>>
        %dma_wait3A_21 = tpu.memref_slice %arg3[%run_scoped3A, %multiple_of3A_15] : memref<2x160000xi32, #tpu.memory_space<hbm>> -> memref<1x1000xi32, #tpu.memory_space<hbm>>
        %dma_wait3A_22 = tpu.memref_squeeze %dma_wait3A_21 : memref<1x1000xi32, #tpu.memory_space<hbm>> -> memref<1000xi32, #tpu.memory_space<hbm>>
        tpu.wait_dma2 semaphore(%run_scoped3A_16 : memref<!tpu.dma_semaphore, #tpu.memory_space<semaphore_mem>>) src(%dma_wait3A_22 : memref<1000xi32, #tpu.memory_space<hbm>>) dst(%arg7 : memref<1000xi32, #tpu.memory_space<vmem>>)
        tpu.yield
      }) : () -> ()
      "tpu.region"() ({
        %run_scoped3A_16 = tpu.sem_alloc : memref<!tpu.dma_semaphore, #tpu.memory_space<semaphore_mem>>
        %dma_start3A = arith.constant 0 : i32
        %dma_start3A_17 = tpu.memref_slice %arg2[%multiple_of3A_15, %dma_start3A] : memref<160000x32xf32, #tpu.memory_space<hbm>> -> memref<1000x32xf32, #tpu.memory_space<hbm>>
        %dma_start3A_18 = arith.constant 0 : i32
        %dma_start3A_19 = tpu.memref_slice %arg2[%multiple_of3A_15, %dma_start3A_18] : memref<160000x32xf32, #tpu.memory_space<hbm>> -> memref<1000x32xf32, #tpu.memory_space<hbm>>
        tpu.enqueue_dma source(%dma_start3A_19 : memref<1000x32xf32, #tpu.memory_space<hbm>>) target(%arg8 : memref<1000x32xf32, #tpu.memory_space<vmem>>) target_semaphore(%run_scoped3A_16 : memref<!tpu.dma_semaphore, #tpu.memory_space<semaphore_mem>>)
        %dma_wait3A = arith.constant 0 : i32
        %dma_wait3A_20 = tpu.memref_slice %arg2[%multiple_of3A_15, %dma_wait3A] : memref<160000x32xf32, #tpu.memory_space<hbm>> -> memref<1000x32xf32, #tpu.memory_space<hbm>>
        %dma_wait3A_21 = arith.constant 0 : i32
        %dma_wait3A_22 = tpu.memref_slice %arg2[%multiple_of3A_15, %dma_wait3A_21] : memref<160000x32xf32, #tpu.memory_space<hbm>> -> memref<1000x32xf32, #tpu.memory_space<hbm>>
        tpu.wait_dma2 semaphore(%run_scoped3A_16 : memref<!tpu.dma_semaphore, #tpu.memory_space<semaphore_mem>>) src(%dma_wait3A_22 : memref<1000x32xf32, #tpu.memory_space<hbm>>) dst(%arg8 : memref<1000x32xf32, #tpu.memory_space<vmem>>)
        tpu.yield
      }) : () -> ()
      "tpu.region"() ({
        %run_scoped3A_16 = tpu.sem_alloc : memref<!tpu.dma_semaphore, #tpu.memory_space<semaphore_mem>>
        %dma_start3A = arith.constant 0 : i32
        %dma_start3A_17 = arith.constant 0 : i32
        %dma_start3A_18 = tpu.memref_slice %arg6[%dma_start3A, %dma_start3A_17] : memref<10000x32xf32, #tpu.memory_space<vmem_shared>> -> memref<10000x32xf32, #tpu.memory_space<vmem_shared>>
        tpu.enqueue_indirect_dma source(%arg8 : memref<1000x32xf32, #tpu.memory_space<vmem>>) target(%dma_start3A_18 : memref<10000x32xf32, #tpu.memory_space<vmem_shared>>) offsets(%arg7 : memref<1000xi32, #tpu.memory_space<vmem>>) semaphore(%run_scoped3A_16 : memref<!tpu.dma_semaphore, #tpu.memory_space<semaphore_mem>>) {add = true}
        %dma_wait3A = arith.constant 0 : i32
        %dma_wait3A_19 = arith.constant 0 : i32
        %dma_wait3A_20 = tpu.memref_slice %arg6[%dma_wait3A, %dma_wait3A_19] : memref<10000x32xf32, #tpu.memory_space<vmem_shared>> -> memref<10000x32xf32, #tpu.memory_space<vmem_shared>>
        tpu.wait_indirect_dma semaphore(%run_scoped3A_16 : memref<!tpu.dma_semaphore, #tpu.memory_space<semaphore_mem>>) src(%arg8 : memref<1000x32xf32, #tpu.memory_space<vmem>>) dst(%dma_wait3A_20 : memref<10000x32xf32, #tpu.memory_space<vmem_shared>>)
        tpu.yield
      }) : () -> ()
    }
    %scan3A_7 = arith.constant 5 : i32
    %barrier3A_8 = arith.constant 0 : index
    tpu.barrier barrier_id(%barrier3A_8)
    "tpu.region"() ({
      %run_scoped3A = tpu.sem_alloc : memref<!tpu.dma_semaphore, #tpu.memory_space<semaphore_mem>>
      %dma_start3A = arith.constant 0 : i32
      %dma_start3A_9 = tpu.memref_slice %arg5[%arg0, %multiple_of3A, %dma_start3A] : memref<2x10000x32xf32, #tpu.memory_space<hbm>> -> memref<1x625x32xf32, #tpu.memory_space<hbm>>
      %dma_start3A_10 = tpu.memref_squeeze %dma_start3A_9 : memref<1x625x32xf32, #tpu.memory_space<hbm>> -> memref<625x32xf32, #tpu.memory_space<hbm>>
      %dma_start3A_11 = arith.constant 0 : i32
      %dma_start3A_12 = tpu.memref_slice %arg6[%multiple_of3A, %dma_start3A_11] : memref<10000x32xf32, #tpu.memory_space<vmem_shared>> -> memref<625x32xf32, #tpu.memory_space<vmem_shared>>
      tpu.enqueue_dma source(%dma_start3A_12 : memref<625x32xf32, #tpu.memory_space<vmem_shared>>) target(%dma_start3A_10 : memref<625x32xf32, #tpu.memory_space<hbm>>) target_semaphore(%run_scoped3A : memref<!tpu.dma_semaphore, #tpu.memory_space<semaphore_mem>>)
      %dma_wait3A = arith.constant 0 : i32
      %dma_wait3A_13 = tpu.memref_slice %arg5[%arg0, %multiple_of3A, %dma_wait3A] : memref<2x10000x32xf32, #tpu.memory_space<hbm>> -> memref<1x625x32xf32, #tpu.memory_space<hbm>>
      %dma_wait3A_14 = tpu.memref_squeeze %dma_wait3A_13 : memref<1x625x32xf32, #tpu.memory_space<hbm>> -> memref<625x32xf32, #tpu.memory_space<hbm>>
      %dma_wait3A_15 = arith.constant 0 : i32
      %dma_wait3A_16 = tpu.memref_slice %arg6[%multiple_of3A, %dma_wait3A_15] : memref<10000x32xf32, #tpu.memory_space<vmem_shared>> -> memref<625x32xf32, #tpu.memory_space<vmem_shared>>
      tpu.wait_dma2 semaphore(%run_scoped3A : memref<!tpu.dma_semaphore, #tpu.memory_space<semaphore_mem>>) src(%dma_wait3A_16 : memref<625x32xf32, #tpu.memory_space<vmem_shared>>) dst(%dma_wait3A_14 : memref<625x32xf32, #tpu.memory_space<hbm>>)
      tpu.yield
    }) : () -> ()
    return
  }
}

#map = affine_map<(d0, d1) -> (0, 0)>
module attributes {stable_mosaic.version = 14 : i64} {
  func.func @_gather_body(%arg0: i32, %arg1: i32, %arg2: memref<10000x16xf32, #tpu.memory_space<hbm>>, %arg3: memref<2x160000xi32, #tpu.memory_space<hbm>>, %arg4: memref<160000x16xf32, #tpu.memory_space<hbm>>, %arg5: memref<5000xi32, #tpu.memory_space<vmem>>, %arg6: memref<5000x16xf32, #tpu.memory_space<vmem>>, %arg7: memref<!tpu.dma_semaphore, #tpu.memory_space<semaphore_mem>>) attributes {dimension_semantics = [#tpu.dimension_semantics<core_parallel>, #tpu.dimension_semantics<subcore_parallel>], iteration_bounds = array<i64: 2, 16>, scalar_prefetch = 0 : i64, scratch_operands = 3 : i64, tpu.core_type = #tpu.core_type<sc_vector_subcore>, window_params = [{transform_indices = #map}, {transform_indices = #map}, {transform_indices = #map}]} {
    %mul3A = arith.constant 2 : i32
    %mul3A_0 = arith.muli %arg1, %mul3A : i32
    %add3A = arith.addi %mul3A_0, %arg0 : i32
    %mul3A_1 = arith.constant 5000 : i32
    %mul3A_2 = arith.muli %add3A, %mul3A_1 : i32
    %multiple_of3A = tpu.assume_multiple %mul3A_2, 8 : i32
    %run_scoped3A = arith.constant 0 : i32
    "tpu.region"() ({
      %run_scoped3A_7 = tpu.sem_alloc : memref<!tpu.dma_semaphore, #tpu.memory_space<semaphore_mem>>
      %dma_start3A_8 = tpu.memref_slice %arg3[%run_scoped3A, %multiple_of3A] : memref<2x160000xi32, #tpu.memory_space<hbm>> -> memref<1x5000xi32, #tpu.memory_space<hbm>>
      %dma_start3A_9 = tpu.memref_squeeze %dma_start3A_8 : memref<1x5000xi32, #tpu.memory_space<hbm>> -> memref<5000xi32, #tpu.memory_space<hbm>>
      %dma_start3A_10 = tpu.memref_slice %arg3[%run_scoped3A, %multiple_of3A] : memref<2x160000xi32, #tpu.memory_space<hbm>> -> memref<1x5000xi32, #tpu.memory_space<hbm>>
      %dma_start3A_11 = tpu.memref_squeeze %dma_start3A_10 : memref<1x5000xi32, #tpu.memory_space<hbm>> -> memref<5000xi32, #tpu.memory_space<hbm>>
      tpu.enqueue_dma source(%dma_start3A_11 : memref<5000xi32, #tpu.memory_space<hbm>>) target(%arg5 : memref<5000xi32, #tpu.memory_space<vmem>>) target_semaphore(%run_scoped3A_7 : memref<!tpu.dma_semaphore, #tpu.memory_space<semaphore_mem>>)
      %dma_wait3A_12 = tpu.memref_slice %arg3[%run_scoped3A, %multiple_of3A] : memref<2x160000xi32, #tpu.memory_space<hbm>> -> memref<1x5000xi32, #tpu.memory_space<hbm>>
      %dma_wait3A_13 = tpu.memref_squeeze %dma_wait3A_12 : memref<1x5000xi32, #tpu.memory_space<hbm>> -> memref<5000xi32, #tpu.memory_space<hbm>>
      %dma_wait3A_14 = tpu.memref_slice %arg3[%run_scoped3A, %multiple_of3A] : memref<2x160000xi32, #tpu.memory_space<hbm>> -> memref<1x5000xi32, #tpu.memory_space<hbm>>
      %dma_wait3A_15 = tpu.memref_squeeze %dma_wait3A_14 : memref<1x5000xi32, #tpu.memory_space<hbm>> -> memref<5000xi32, #tpu.memory_space<hbm>>
      tpu.wait_dma2 semaphore(%run_scoped3A_7 : memref<!tpu.dma_semaphore, #tpu.memory_space<semaphore_mem>>) src(%dma_wait3A_15 : memref<5000xi32, #tpu.memory_space<hbm>>) dst(%arg5 : memref<5000xi32, #tpu.memory_space<vmem>>)
      tpu.yield
    }) : () -> ()
    %dma_start3A = arith.constant 0 : i32
    %dma_start3A_3 = arith.constant 0 : i32
    %dma_start3A_4 = tpu.memref_slice %arg2[%dma_start3A, %dma_start3A_3] : memref<10000x16xf32, #tpu.memory_space<hbm>> -> memref<10000x16xf32, #tpu.memory_space<hbm>>
    tpu.enqueue_indirect_dma source(%dma_start3A_4 : memref<10000x16xf32, #tpu.memory_space<hbm>>) target(%arg6 : memref<5000x16xf32, #tpu.memory_space<vmem>>) offsets(%arg5 : memref<5000xi32, #tpu.memory_space<vmem>>) semaphore(%arg7 : memref<!tpu.dma_semaphore, #tpu.memory_space<semaphore_mem>>)
    %dma_wait3A = arith.constant 0 : i32
    %dma_wait3A_5 = arith.constant 0 : i32
    %dma_wait3A_6 = tpu.memref_slice %arg2[%dma_wait3A, %dma_wait3A_5] : memref<10000x16xf32, #tpu.memory_space<hbm>> -> memref<10000x16xf32, #tpu.memory_space<hbm>>
    tpu.wait_indirect_dma semaphore(%arg7 : memref<!tpu.dma_semaphore, #tpu.memory_space<semaphore_mem>>) src(%dma_wait3A_6 : memref<10000x16xf32, #tpu.memory_space<hbm>>) dst(%arg6 : memref<5000x16xf32, #tpu.memory_space<vmem>>)
    "tpu.region"() ({
      %run_scoped3A_7 = tpu.sem_alloc : memref<!tpu.dma_semaphore, #tpu.memory_space<semaphore_mem>>
      %dma_start3A_8 = arith.constant 0 : i32
      %dma_start3A_9 = tpu.memref_slice %arg4[%multiple_of3A, %dma_start3A_8] : memref<160000x16xf32, #tpu.memory_space<hbm>> -> memref<5000x16xf32, #tpu.memory_space<hbm>>
      %dma_start3A_10 = arith.constant 0 : i32
      %dma_start3A_11 = tpu.memref_slice %arg4[%multiple_of3A, %dma_start3A_10] : memref<160000x16xf32, #tpu.memory_space<hbm>> -> memref<5000x16xf32, #tpu.memory_space<hbm>>
      tpu.enqueue_dma source(%arg6 : memref<5000x16xf32, #tpu.memory_space<vmem>>) target(%dma_start3A_11 : memref<5000x16xf32, #tpu.memory_space<hbm>>) target_semaphore(%run_scoped3A_7 : memref<!tpu.dma_semaphore, #tpu.memory_space<semaphore_mem>>)
      %dma_wait3A_12 = arith.constant 0 : i32
      %dma_wait3A_13 = tpu.memref_slice %arg4[%multiple_of3A, %dma_wait3A_12] : memref<160000x16xf32, #tpu.memory_space<hbm>> -> memref<5000x16xf32, #tpu.memory_space<hbm>>
      %dma_wait3A_14 = arith.constant 0 : i32
      %dma_wait3A_15 = tpu.memref_slice %arg4[%multiple_of3A, %dma_wait3A_14] : memref<160000x16xf32, #tpu.memory_space<hbm>> -> memref<5000x16xf32, #tpu.memory_space<hbm>>
      tpu.wait_dma2 semaphore(%run_scoped3A_7 : memref<!tpu.dma_semaphore, #tpu.memory_space<semaphore_mem>>) src(%arg6 : memref<5000x16xf32, #tpu.memory_space<vmem>>) dst(%dma_wait3A_15 : memref<5000x16xf32, #tpu.memory_space<hbm>>)
      tpu.yield
    }) : () -> ()
    return
  }
}

module attributes {stable_mosaic.version = 14 : i64} {
  func.func @_msg_body(%arg0: i32, %arg1: memref<128000xf32, #tpu.memory_space<vmem>>, %arg2: memref<128000xf32, #tpu.memory_space<vmem>>, %arg3: memref<128x2048xf32, #tpu.memory_space<vmem>>, %arg4: memref<128x2048xf32, #tpu.memory_space<vmem>>, %arg5: memref<2048x256xf32, #tpu.memory_space<vmem>>, %arg6: memref<128x256xf32, #tpu.memory_space<vmem>>, %arg7: memref<8x256xf32, #tpu.memory_space<vmem>>, %arg8: memref<256000xf32, #tpu.memory_space<vmem>>) attributes {dimension_semantics = [#tpu.dimension_semantics<arbitrary>], iteration_bounds = array<i64: 20>, scalar_prefetch = 0 : i64, scratch_operands = 0 : i64, tpu.core_type = #tpu.core_type<tc>, window_params = [{transform_indices = @transform_0, window_bounds = array<i64: 128000>}, {transform_indices = @transform_1, window_bounds = array<i64: 128000>}, {pipeline_mode = #tpu.pipeline_mode<synchronous>, transform_indices = @transform_2, window_bounds = array<i64: 128, 2048>}, {pipeline_mode = #tpu.pipeline_mode<synchronous>, transform_indices = @transform_3, window_bounds = array<i64: 128, 2048>}, {pipeline_mode = #tpu.pipeline_mode<synchronous>, transform_indices = @transform_4, window_bounds = array<i64: 2048, 256>}, {pipeline_mode = #tpu.pipeline_mode<synchronous>, transform_indices = @transform_5, window_bounds = array<i64: 128, 256>}, {pipeline_mode = #tpu.pipeline_mode<synchronous>, transform_indices = @transform_6, window_bounds = array<i64: 8, 256>}, {transform_indices = @transform_7, window_bounds = array<i64: 256000>}]} {
    %get3A = arith.constant 0 : index
    %get3A_0 = vector.load %arg1[%get3A] : memref<128000xf32, #tpu.memory_space<vmem>>, vector<128000xf32>
    %reshape3A = vector.shape_cast %get3A_0 : vector<128000xf32> to vector<1000x128xf32>
    %get3A_1 = arith.constant 0 : index
    %get3A_2 = vector.load %arg2[%get3A_1] : memref<128000xf32, #tpu.memory_space<vmem>>, vector<128000xf32>
    %reshape3A_3 = vector.shape_cast %get3A_2 : vector<128000xf32> to vector<1000x128xf32>
    %get3A_4 = arith.constant 0 : index
    %get3A_5 = arith.constant 0 : index
    %get3A_6 = vector.load %arg3[%get3A_4, %get3A_5] : memref<128x2048xf32, #tpu.memory_space<vmem>>, vector<128x2048xf32>
    %dot_general3A = arith.constant dense<0.000000e+00> : vector<1000x2048xf32>
    %dot_general3A_7 = tpu.matmul %reshape3A, %get3A_6, %dot_general3A {dimension_numbers = #tpu.dot_dimension_numbers<[1], [0], [0], [1], [0, 0, 1, 1], [], []>, transpose_lhs_hint = false} : vector<1000x128xf32>, vector<128x2048xf32>, vector<1000x2048xf32> -> vector<1000x2048xf32>
    %get3A_8 = arith.constant 0 : index
    %get3A_9 = arith.constant 0 : index
    %get3A_10 = vector.load %arg4[%get3A_8, %get3A_9] : memref<128x2048xf32, #tpu.memory_space<vmem>>, vector<128x2048xf32>
    %dot_general3A_11 = arith.constant dense<0.000000e+00> : vector<1000x2048xf32>
    %dot_general3A_12 = tpu.matmul %reshape3A_3, %get3A_10, %dot_general3A_11 {dimension_numbers = #tpu.dot_dimension_numbers<[1], [0], [0], [1], [0, 0, 1, 1], [], []>, transpose_lhs_hint = false} : vector<1000x128xf32>, vector<128x2048xf32>, vector<1000x2048xf32> -> vector<1000x2048xf32>
    %mul3A = arith.mulf %dot_general3A_7, %dot_general3A_12 : vector<1000x2048xf32>
    %get3A_13 = arith.constant 0 : index
    %get3A_14 = arith.constant 0 : index
    %get3A_15 = vector.load %arg5[%get3A_13, %get3A_14] : memref<2048x256xf32, #tpu.memory_space<vmem>>, vector<2048x256xf32>
    %dot_general3A_16 = arith.constant dense<0.000000e+00> : vector<1000x256xf32>
    %dot_general3A_17 = tpu.matmul %mul3A, %get3A_15, %dot_general3A_16 {dimension_numbers = #tpu.dot_dimension_numbers<[1], [0], [0], [1], [0, 0, 1, 1], [], []>, transpose_lhs_hint = false} : vector<1000x2048xf32>, vector<2048x256xf32>, vector<1000x256xf32> -> vector<1000x256xf32>
    %get3A_18 = arith.constant 0 : index
    %get3A_19 = arith.constant 0 : index
    %get3A_20 = vector.load %arg6[%get3A_18, %get3A_19] : memref<128x256xf32, #tpu.memory_space<vmem>>, vector<128x256xf32>
    %dot_general3A_21 = arith.constant dense<0.000000e+00> : vector<1000x256xf32>
    %dot_general3A_22 = tpu.matmul %reshape3A, %get3A_20, %dot_general3A_21 {dimension_numbers = #tpu.dot_dimension_numbers<[1], [0], [0], [1], [0, 0, 1, 1], [], []>, transpose_lhs_hint = false} : vector<1000x128xf32>, vector<128x256xf32>, vector<1000x256xf32> -> vector<1000x256xf32>
    %add3A = arith.addf %dot_general3A_17, %dot_general3A_22 : vector<1000x256xf32>
    %get3A_23 = arith.constant 0 : index
    %get3A_24 = arith.constant 0 : index
    %get3A_25 = vector.load %arg7[%get3A_23, %get3A_24] : memref<8x256xf32, #tpu.memory_space<vmem>>, vector<1x256xf32>
    %add3A_26 = vector.broadcast %get3A_25 : vector<1x256xf32> to vector<1000x256xf32>
    %add3A_27 = arith.addf %add3A, %add3A_26 : vector<1000x256xf32>
    %reshape3A_28 = vector.shape_cast %add3A_27 : vector<1000x256xf32> to vector<256000xf32>
    %swap3A = arith.constant 0 : index
    %swap3A_29 = vector.load %arg8[%swap3A] : memref<256000xf32, #tpu.memory_space<vmem>>, vector<256000xf32>
    tpu.vector_store %arg8[%swap3A], %reshape3A_28 {strides = array<i32>} : memref<256000xf32, #tpu.memory_space<vmem>>, vector<256000xf32>,
    return
  }
  func.func @transform_0(%arg0: i32) -> i32 {
    %c0_i32 = arith.constant 0 : i32
    return %arg0 : i32
  }
  func.func @transform_1(%arg0: i32) -> i32 {
    %c0_i32 = arith.constant 0 : i32
    return %arg0 : i32
  }
  func.func @transform_2(%arg0: i32) -> (i32, i32) {
    %c0_i32 = arith.constant 0 : i32
    %c0_i32_0 = arith.constant 0 : i32
    %c0_i32_1 = arith.constant 0 : i32
    return %c0_i32, %c0_i32_0 : i32, i32
  }
  func.func @transform_3(%arg0: i32) -> (i32, i32) {
    %c0_i32 = arith.constant 0 : i32
    %c0_i32_0 = arith.constant 0 : i32
    %c0_i32_1 = arith.constant 0 : i32
    return %c0_i32, %c0_i32_0 : i32, i32
  }
  func.func @transform_4(%arg0: i32) -> (i32, i32) {
    %c0_i32 = arith.constant 0 : i32
    %c0_i32_0 = arith.constant 0 : i32
    %c0_i32_1 = arith.constant 0 : i32
    return %c0_i32, %c0_i32_0 : i32, i32
  }
  func.func @transform_5(%arg0: i32) -> (i32, i32) {
    %c0_i32 = arith.constant 0 : i32
    %c0_i32_0 = arith.constant 0 : i32
    %c0_i32_1 = arith.constant 0 : i32
    return %c0_i32, %c0_i32_0 : i32, i32
  }
  func.func @transform_6(%arg0: i32) -> (i32, i32) {
    %c0_i32 = arith.constant 0 : i32
    %c0_i32_0 = arith.constant 0 : i32
    %c0_i32_1 = arith.constant 0 : i32
    return %c0_i32, %c0_i32_0 : i32, i32
  }
  func.func @transform_7(%arg0: i32) -> i32 {
    %c0_i32 = arith.constant 0 : i32
    return %arg0 : i32
  }
}

module attributes {stable_mosaic.version = 14 : i64} {
  func.func @_final_body(%arg0: memref<640000xf32, #tpu.memory_space<vmem>>, %arg1: memref<160000xf32, #tpu.memory_space<vmem>>, %arg2: memref<256x128xf32, #tpu.memory_space<vmem>>, %arg3: memref<256x128xf32, #tpu.memory_space<vmem>>, %arg4: memref<128x128xf32, #tpu.memory_space<vmem>>, %arg5: memref<8x128xf32, #tpu.memory_space<vmem>>, %arg6: memref<1250x128xf32, #tpu.memory_space<vmem>>) attributes {dimension_semantics = [], scalar_prefetch = 0 : i64, scratch_operands = 0 : i64, tpu.core_type = #tpu.core_type<tc>} {
    %get3A = arith.constant 0 : index
    %get3A_0 = vector.load %arg0[%get3A] : memref<640000xf32, #tpu.memory_space<vmem>>, vector<640000xf32>
    %reshape3A = vector.shape_cast %get3A_0 : vector<640000xf32> to vector<2500x256xf32>
    %slice3A = vector.extract_strided_slice %reshape3A {offsets = [0, 0], sizes = [1250, 256], strides = [1, 1]} : vector<2500x256xf32> to vector<1250x256xf32>
    %slice3A_1 = vector.extract_strided_slice %reshape3A {offsets = [1250, 0], sizes = [1250, 256], strides = [1, 1]} : vector<2500x256xf32> to vector<1250x256xf32>
    %add3A = arith.addf %slice3A, %slice3A_1 : vector<1250x256xf32>
    %get3A_2 = arith.constant 0 : index
    %get3A_3 = arith.constant 0 : index
    %get3A_4 = vector.load %arg2[%get3A_2, %get3A_3] : memref<256x128xf32, #tpu.memory_space<vmem>>, vector<256x128xf32>
    %dot_general3A = arith.constant dense<0.000000e+00> : vector<1250x128xf32>
    %dot_general3A_5 = tpu.matmul %add3A, %get3A_4, %dot_general3A {dimension_numbers = #tpu.dot_dimension_numbers<[1], [0], [0], [1], [0, 0, 1, 1], [], []>, transpose_lhs_hint = false} : vector<1250x256xf32>, vector<256x128xf32>, vector<1250x128xf32> -> vector<1250x128xf32>
    %get3A_6 = arith.constant 0 : index
    %get3A_7 = arith.constant 0 : index
    %get3A_8 = vector.load %arg3[%get3A_6, %get3A_7] : memref<256x128xf32, #tpu.memory_space<vmem>>, vector<256x128xf32>
    %dot_general3A_9 = arith.constant dense<0.000000e+00> : vector<1250x128xf32>
    %dot_general3A_10 = tpu.matmul %add3A, %get3A_8, %dot_general3A_9 {dimension_numbers = #tpu.dot_dimension_numbers<[1], [0], [0], [1], [0, 0, 1, 1], [], []>, transpose_lhs_hint = false} : vector<1250x256xf32>, vector<256x128xf32>, vector<1250x128xf32> -> vector<1250x128xf32>
    %max3A = arith.constant 1.000000e+00 : f32
    %max3A_11 = vector.broadcast %max3A : f32 to vector<1250x128xf32>
    %max3A_12 = arith.maximumf %dot_general3A_10, %max3A_11 : vector<1250x128xf32>
    %div3A = arith.divf %dot_general3A_5, %max3A_12 : vector<1250x128xf32>
    %get3A_13 = arith.constant 0 : index
    %get3A_14 = vector.load %arg1[%get3A_13] : memref<160000xf32, #tpu.memory_space<vmem>>, vector<160000xf32>
    %reshape3A_15 = vector.shape_cast %get3A_14 : vector<160000xf32> to vector<1250x128xf32>
    %get3A_16 = arith.constant 0 : index
    %get3A_17 = arith.constant 0 : index
    %get3A_18 = vector.load %arg4[%get3A_16, %get3A_17] : memref<128x128xf32, #tpu.memory_space<vmem>>, vector<128x128xf32>
    %dot_general3A_19 = arith.constant dense<0.000000e+00> : vector<1250x128xf32>
    %dot_general3A_20 = tpu.matmul %reshape3A_15, %get3A_18, %dot_general3A_19 {dimension_numbers = #tpu.dot_dimension_numbers<[1], [0], [0], [1], [0, 0, 1, 1], [], []>, transpose_lhs_hint = false} : vector<1250x128xf32>, vector<128x128xf32>, vector<1250x128xf32> -> vector<1250x128xf32>
    %add3A_21 = arith.addf %div3A, %dot_general3A_20 : vector<1250x128xf32>
    %get3A_22 = arith.constant 0 : index
    %get3A_23 = arith.constant 0 : index
    %get3A_24 = vector.load %arg5[%get3A_22, %get3A_23] : memref<8x128xf32, #tpu.memory_space<vmem>>, vector<1x128xf32>
    %add3A_25 = vector.broadcast %get3A_24 : vector<1x128xf32> to vector<1250x128xf32>
    %add3A_26 = arith.addf %add3A_21, %add3A_25 : vector<1250x128xf32>
    %swap3A = arith.constant 0 : index
    %swap3A_27 = arith.constant 0 : index
    %swap3A_28 = vector.load %arg6[%swap3A, %swap3A_27] : memref<1250x128xf32, #tpu.memory_space<vmem>>, vector<1250x128xf32>
    tpu.vector_store %arg6[%swap3A, %swap3A_27], %add3A_26 {strides = array<i32>} : memref<1250x128xf32, #tpu.memory_space<vmem>>, vector<1250x128xf32>,
    return
  }
}

</mosaic_0001>

<sc_bundles>
// kernel: kernel.6.cloned.1.call-start
scs
__scs_entry_jumppad:
0x0: {  	(pc) =	sbr.rel $0x88, $3  }
0x1: {  	(tag) =	ssettag $0x0;
	lr =	simm.s32 $0x1  }
0x2: {  	[smem:$0x3F9A] =	sst lr;
	_ =	strace $0xD0000000  }
0x3: {  	_ = 	snop  }
0x4: {  	_ = 	snop  }
0x5: {  	_ = 	snop  }
0x6: {  	_ = 	snop  }
0x7: {  	_ = 	snop  }
__scs_overlays_trampoline_lowered:
0x8: {  	[smem:$0x3FA9] =	sst s0  }
0x9: {  	[smem:$0x3FAA] =	sst s1  }
0xa: {  	[smem:$0x3FAB] =	sst s2  }
0xb: {  	[smem:$0x3FAC] =	sst s3  }
0xc: {  	[smem:$0x3FAD] =	sst s4  }
0xd: {  	[smem:$0x3FAE] =	sst s5  }
0xe: {  	[smem:$0x3FAF] =	sst s6  }
0xf: {  	[smem:$0x3FB0] =	sst s7  }
0x10: {  	[smem:$0x3FB1] =	sst s8  }
0x11: {  	[smem:$0x3FB2] =	sst s9;
	s0 =	simm.s32 @!p0 $0x0  }
0x12: {  	s1 =	sld [smem:$0x3F98];
	s0 =	simm.s32 @p0 $0x1  }
0x13: {  	[smem:$0x3FB3] =	sst s0;
	s0 =	simm.s32 @!p1 $0x0  }
0x14: {  	s2 =	sld [smem:$0x3F97];
	s0 =	simm.s32 @p1 $0x1  }
0x15: {  	[smem:$0x3FB4] =	sst s0;
	s0 =	simm.s32 @!p2 $0x0  }
0x16: {  	s3 =	sld [smem:$0x3FDB];
	s0 =	simm.s32 @p2 $0x1  }
0x17: {  	s4 =	simm.s32 $0x1BF5;
	[smem:$0x3FB6] =	sst s0  }
0x18: {  	s0 =	sld [smem:$0x3F99];
	_ =	swait.ge [sflag:s4], $0x0  }
0x19: {  	s7 =	sld [smem:$0x3F9A]  }
0x1a: {  	s8 =	sadd.s32 $0xFFFFE003, lr  }
0x1b: {  	s9 =	sadd.s32 $0xFFFFFEF7, lr;
	s5 =	simm.s32 $0xFFFFFFFF;
	p2 =	slt.u32 s8, $0xFFFFF086  }
0x1c: {  	p1 =	slt.u32 s9, $0xF7A;
	s5 =	simm.s32 @!p2 $0x0  }
0x1d: {  	s5 =	simm.s32 @p1 $0x1;
	p0 =	seq.s32 s7, s2  }
0x1e: {  	s7 =	smul.u32 @!p0 $0xF7A, s2;
	p2 =	seq.s32 @!p0 s5, $0x0  }
0x1f: {  	s9 =	smul.u32 $0xF7A, s1;
	s8 =	simm.s32 @!p0 $0x1BF5;
	p2 =	por !p2, p0  }
0x20: {  	[sflag:s8] =	ssyncset.s32 @!p0 $0xFFFFF086;
	s6 =	sadd.s32 @!p0 s3, s7;
	s7 =	simm.s32 @!p0 $0x108  }
0x21: {  	s3 =	sadd.s32 s3, s9;
	s6 =	sadd.s32 @!p0 $0x88, s6;
	s7 =	simm.s32 @p2 $0x1082  }
0x22: {  	[simem:s7], [sflag:s8] =	dma.local @!p0 [hbm:s6], $0xF7A  }
0x23: {  	s9 =	sor.u32 $0xD0000000, s2;
	s6 =	simm.s32 $0x108;
	_ =	swait.ge @!p0 [sflag:s8], $0x0  }
0x24: {  	s3 =	sadd.s32 $0x88, s3;
	s6 =	simm.s32 @!p1 $0x1082;
	[sflag:s4] =	ssyncset.s32 $0xFFFFF086  }
0x25: {  	[simem:s6], [sflag:s4] =	dma.local [hbm:s3], $0xF7A  }
0x26: {  	[smem:$0x3F9A] =	sst s1;
	(tag) =	ssettag s2;
	_ =	strace s9  }
0x27: {  	s1 =	sld [smem:$0x3FAA]  }
0x28: {  	s2 =	sld [smem:$0x3FAB]  }
0x29: {  	s4 =	sld [smem:$0x3FAD]  }
0x2a: {  	p0 =	seq.s32 s5, $0x0;
	s5 =	sld [smem:$0x3FAE]  }
0x2b: {  	s6 =	sld [smem:$0x3FAF]  }
0x2c: {  	s7 =	sld [smem:$0x3FB0]  }
0x2d: {  	s3 =	simm.s32 $0x108;
	s8 =	sld [smem:$0x3FB1]  }
0x2e: {  	s3 =	simm.s32 @!p0 $0x1082;
	s9 =	sld [smem:$0x3FB2]  }
0x2f: {  	lr =	sadd.s32 s0, s3;
	s0 =	sld [smem:$0x3FA9]  }
0x30: {  	s3 =	sld [smem:$0x3FAC]  }
0x31: {  	[smem:$0x3FB5] =	sst s10  }
0x32: {  	s10 =	sld [smem:$0x3FB3];
	_ =	sdelay $0x3  }
0x33: {  	p0 =	seq.s32 s10, $0x1;
	s10 =	sld [smem:$0x3FB5];
	_ =	sdelay $0x3  }
0x34: {  	[smem:$0x3FB5] =	sst s10  }
0x35: {  	s10 =	sld [smem:$0x3FB4];
	_ =	sdelay $0x3  }
0x36: {  	p1 =	seq.s32 s10, $0x1;
	s10 =	sld [smem:$0x3FB5];
	_ =	sdelay $0x3  }
0x37: {  	[smem:$0x3FB5] =	sst s10  }
0x38: {  	s10 =	sld [smem:$0x3FB6]  }
0x39: {  	_ = 	snop;
	(pc) =	sbr.ind lr, $3  }
0x3a: {  	_ = 	snop  }
0x3b: {  	_ = 	snop  }
0x3c: {  	p2 =	seq.s32 s10, $0x1;
	s10 =	sld [smem:$0x3FB5]  }
0x3d: {  	_ =	shalt  }
0x3e: {  	_ =	shalt  }
0x3f: {  	_ =	shalt  }
0x40: {  	_ =	shalt  }
0x41: {  	_ =	shalt  }
0x42: {  	_ =	shalt  }
0x43: {  	_ =	shalt  }
0x44: {  	_ =	shalt  }
0x45: {  	_ =	shalt  }
0x46: {  	_ =	shalt  }
0x47: {  	_ =	shalt  }
0x48: {  	_ =	shalt  }
0x49: {  	_ =	shalt  }
0x4a: {  	_ =	shalt  }
0x4b: {  	_ =	shalt  }
0x4c: {  	_ =	shalt  }
0x4d: {  	_ =	shalt  }
0x4e: {  	_ =	shalt  }
0x4f: {  	_ =	shalt  }
0x50: {  	_ =	shalt  }
0x51: {  	_ =	shalt  }
0x52: {  	_ =	shalt  }
0x53: {  	_ =	shalt  }
0x54: {  	_ =	shalt  }
0x55: {  	_ =	shalt  }
0x56: {  	_ =	shalt  }
0x57: {  	_ =	shalt  }
0x58: {  	_ =	shalt  }
0x59: {  	_ =	shalt  }
0x5a: {  	_ =	shalt  }
0x5b: {  	_ =	shalt  }
0x5c: {  	_ =	shalt  }
0x5d: {  	_ =	shalt  }
0x5e: {  	_ =	shalt  }
0x5f: {  	_ =	shalt  }
0x60: {  	_ =	shalt  }
0x61: {  	_ =	shalt  }
0x62: {  	_ =	shalt  }
0x63: {  	_ =	shalt  }
0x64: {  	_ =	shalt  }
0x65: {  	_ =	shalt  }
0x66: {  	_ =	shalt  }
0x67: {  	_ =	shalt  }
0x68: {  	_ =	shalt  }
0x69: {  	_ =	shalt  }
0x6a: {  	_ =	shalt  }
0x6b: {  	_ =	shalt  }
0x6c: {  	_ =	shalt  }
0x6d: {  	_ =	shalt  }
0x6e: {  	_ =	shalt  }
0x6f: {  	_ =	shalt  }
0x70: {  	_ =	shalt  }
0x71: {  	_ =	shalt  }
0x72: {  	_ =	shalt  }
0x73: {  	_ =	shalt  }
0x74: {  	_ =	shalt  }
0x75: {  	_ =	shalt  }
0x76: {  	_ =	shalt  }
0x77: {  	_ =	shalt  }
0x78: {  	_ =	shalt  }
0x79: {  	_ =	shalt  }
0x7a: {  	_ =	shalt  }
0x7b: {  	_ =	shalt  }
0x7c: {  	_ =	shalt  }
0x7d: {  	_ =	shalt  }
0x7e: {  	_ =	shalt  }
0x7f: {  	_ =	shalt  }
0x80: {  	_ =	shalt  }
0x81: {  	_ =	shalt  }
0x82: {  	_ =	shalt  }
0x83: {  	_ =	shalt  }
0x84: {  	_ =	shalt  }
0x85: {  	_ =	shalt  }
0x86: {  	_ =	shalt  }
0x87: {  	_ =	shalt  }
.Lfunc_end0:
.L_simem_size_0:
called_computation_lowered:
.L_overlay_start_0:
0x88: {  	s2 =	sld [smem:$0x3FD9]  }
0x89: {  	s3 =	sld [smem:$0x3FFE];
	_ =	sdelay $0x1  }
0x8a: {  	s1 =	srdreg.scid  }
0x8b: {  	s0 =	sand.u32 $0x1, s1  }
0x8c: {  	s17 =	sshll.u32 s0, $0xA;
	s2 =	sadd.s32 s3, s2  }
0x8d: {  	s2 =	sadd.s32 s2, s17  }
0x8e: {  	[smem:$0x3FC1] =	sst s2  }
0x8f: {  	_ = 	snop  }
0x90: {  	s2 =	sld [smem:$0x3FD0];
	(tm) =	ssettm $0x1  }
0x91: {  	s18 =	sld [smem:$0x3FFB];
	_ =	sdelay $0x3  }
0x92: {  	_ =	strace s18  }
0x93: {  	s3 =	sld [smem:$0x3FFC];
	_ =	sdelay $0x3  }
0x94: {  	_ =	strace s3  }
0x95: {  	s3 =	sld [smem:$0x3FFD];
	_ =	sdelay $0x3  }
0x96: {  	_ =	strace s3  }
0x97: {  	_ =	strace $0x8FFFFFFF  }
0x98: {  	s19 =	sld [smem:$0x3FDB];
	_ =	sdelay $0x1  }
0x99: {  	s4 =	simm.s32 $_scs_section_size  }
0x9a: {  	s5 =	simm.s32 $_size__tile_overlayer_lowered;
	s6 =	simm.s32 $_tile_overlayer_lowered  }
0x9b: {  	s22 =	simm.s32 $0x1BFF;
	s21 =	sshll.u32 s6, $0x1;
	s3 =	sadd.s32 s4, s19  }
0x9c: {  	s7 =	simm.s32 $0x0;
	s20 =	sshll.u32 s5, $0x1;
	s5 =	sadd.s32 s21, s3  }
0x9d: {  	[timem:s7], [sflag:s22] =	dma.local [hbm:s5], s20  }
0x9e: {  	_ =	swait.ge [sflag:s22], s20  }
0x9f: {  	s4 =	ssub.s32 $0x0, s20;
	[sflag:s22] =	ssyncset.done $0x0  }
0xa0: {  	[sflag:s22] =	ssyncadd.s32 s4;
	_ =	sdelay $0x1  }
0xa1: {  	s23 =	simm.s32 $0x1B8B  }
0xa2: {  	_ =	swait.ge [sflag:s23], $0x1  }
0xa3: {  	[sflag:s23] =	ssyncset.done $0x0  }
0xa4: {  	s25 =	simm.s32 $0x1B8E;
	s24 =	sld [smem:$0x3FFE];
	[sflag:s23] =	ssyncadd.s32 $0xFFFFFFFF  }
0xa5: {  	s26 =	simm.s32 $execute0_lowered;
	[smem:$0x3FD2] =	sst s25  }
0xa6: {  	s5 =	sshll.u32 s26, $0x1;
	_ =	strace $0x80000046;
	[dreg:$0x1] =	wrdreg $0xFFFFFFFF  }
0xa7: {  	s28 =	simm.s32 $_size_execute0_lowered;
	s3 =	sadd.s32 s3, s5;
	[dreg:$0x0] =	wrdreg $0x0  }
0xa8: {  	s5 =	sshll.u32 s28, $0x1;
	[dreg:$0x2] =	wrdreg s3  }
0xa9: {  	[dreg:$0x3] =	wrdreg s5  }
0xaa: {  	[dreg:$0x4] =	wrdreg $0xC0  }
0xab: {  	_ =	task [dreg:s7], $0x5FFFF  }
0xac: {  	[dreg:$0x1] =	wrdreg $0xFFFFFFFF  }
0xad: {  	[dreg:$0x0] =	wrdreg $0x60  }
0xae: {  	[dreg:$0x2] =	wrdreg s2  }
0xaf: {  	[dreg:$0x3] =	wrdreg s24  }
0xb0: {  	[dreg:$0x4] =	wrdreg $0x9  }
0xb1: {  	_ =	task.clear_ibuf [dreg:s7], $0x5FFFF;
	_ =	strace $0x90000046  }
0xb2: {  	s29 =	simm.s32 $0x9;
	_ =	strace $0x80000048  }
0xb3: {  	_ =	swait.ge [sflag:s29], $0x1  }
0xb4: {  	[sflag:s29] =	ssyncadd.s32 $0xFFFFFFFF  }
0xb5: {  	_ =	strace $0x90000048  }
0xb6: {  	_ =	sfence  }
0xb7: {  	s30 =	sld [smem:$0x0];
	_ =	sdelay $0x2  }
0xb8: {  	s31 =	sshll.u32 s1, $0xD;
	s1 =	sshrl.u32 s1, $0x2  }
0xb9: {  	s3 =	sand.u32 $0x4000, s31;
	s1 =	sadd.s32 s1, s30  }
0xba: {  	s0 =	sor.u32 s3, s0;
	s1 =	sshll.u32 s1, $0x11  }
0xbb: {  	s0 =	sor.u32 s1, s0  }
0xbc: {  	s0 =	sadd.s32 $0x8F2B, s0  }
0xbd: {  	[sflag:s0] =	ssyncadd.remote.s32 $0x1  }
0xbe: {  	_ =	sfence.sel $0xFFFF  }
0xbf: {  	[dreg:$0x0] =	wrdreg $0xFFFFFFFF;
	(pc) =	sbr.abs _section_cstart, $3  }
0xc0: {  	[dreg:$0x1] =	wrdreg $0xFFFFFFFF  }
0xc1: {  	_ =	task.clear_ibuf [dreg:s7], $0x2FFFF;
	_ =	strace $0x9FFFFFFF  }
0xc2: {  	(tm) =	ssettm $0x7FFFFFFF  }
0xc3: {  	_ =	shalt  }
tec
execute0_lowered:
.L_overlay_start_1:
0x0: {  	(tag) =	ssettag $0x1  }
0x1: {  	s1 =	srdreg.scid;
	s0 =	stileid.u32  }
0x2: {  	s2 =	rddreg [dreg:$0x0];
	s6 =	sand.u32 $0x1, s1;
	s30 =	sshll.u32 s0, $0x1  }
0x3: {  	s8 =	rddreg [dreg:$0x1];
	s7 =	sor.u32 s6, s30  }
0x4: {  	s3 =	simm.s32 $0x0;
	s1 =	rddreg [dreg:$0x2];
	s4 =	smul.u32 $0x271, s7  }
0x5: {  	[smem:$0x7FF] =	sst s3  }
0x6: {  	_ =	strace $0x80000047;
	s10 =	ssub.s32 $0x2, s6;
	s4 =	sadd.s32 s4, s8  }
0x7: {  	s6 =	simm.s32 $0x1388;
	s5 =	sadd.s32 $0x2800, s4;
	s4 =	simm.s32 $0x2  }
0x8: {  	[tilespmem:s3], [sflag:$0x2] =	stream.linear.gather [hbm4b:s5+s3], $0x1388, $0x38;
	[tilespmem:$0x14C08] =	vst v63  }
0x9: {  	s9 =	smul.u32 $0x2710, s7;
	s11 =	sshrl.u32 s10, $0x1;
	_ =	swait.ge [sflag:s4], $0x1388  }
0xa: {  	s7 =	simm.s32 $0x1;
	s31 =	ssub.s32 s10, s11;
	[sflag:s4] =	ssyncset.done $0x0  }
0xb: {  	s8 =	sadd.s32 s9, s8;
	s9 =	smax.u32 s31, $0x1;
	[sflag:s4] =	ssyncadd.s32 $0xFFFFEC78  }
0xc: {  	[tilespmem:s6], [sflag:$0x1] =	stream.indirect.gather [hbm4b:s2+s6], $0x10, s3, s6, $0xb8;
	[tilespmem:$0x14C08] =	vst v63  }
0xd: {  	p0 =	sne.s32 s9, $0x1;
	_ =	swait.ge [sflag:s7], $0x13880  }
.Ltmp0:
0xe: {  	[sflag:s7] =	ssyncset.done $0x0;
	(pc) =	sbr.rel @!p0 .LBB2_2-.Ltmp0, $4  }
0xf: {  	s8 =	sadd.s32 $0xC600, s8;
	[sflag:s7] =	ssyncadd.s32 $0xFFFEC780  }
0x10: {  	[hbm4b:s8+s3] =	stream.linear.scatter [tilespmem:s6], [sflag:$0x2], $0x13880, $0x38;
	[tilespmem:$0x14C08] =	vst v63  }
0x11: {  	_ =	swait.ge [sflag:s4], $0x13880  }
0x12: {  	s9 =	sadd.s32 $0xFFFFFFFF, s9;
	[sflag:s4] =	ssyncset.done $0x0  }
.LBB2_1:
0x13: {  	p0 =	sne.s32 s9, $0x1;
	s9 =	sadd.s32 $0xFFFFFFFF, s9;
	[sflag:s4] =	ssyncadd.s32 $0xFFFEC780  }
0x14: {  	[tilespmem:s3], [sflag:$0x2] =	stream.linear.gather [hbm4b:s5+s3], $0x1388, $0x38;
	[tilespmem:$0x14C08] =	vst v63  }
0x15: {  	_ =	swait.ge [sflag:s4], $0x1388  }
0x16: {  	[sflag:s4] =	ssyncset.done $0x0  }
0x17: {  	[sflag:s4] =	ssyncadd.s32 $0xFFFFEC78  }
0x18: {  	[tilespmem:s6], [sflag:$0x1] =	stream.indirect.gather [hbm4b:s2+s6], $0x10, s3, s6, $0xb8;
	[tilespmem:$0x14C08] =	vst v63  }
0x19: {  	_ =	swait.ge [sflag:s7], $0x13880  }
.Ltmp1:
0x1a: {  	[sflag:s7] =	ssyncset.done $0x0;
	(pc) =	sbr.rel @p0 .LBB2_1-.Ltmp1, $4  }
0x1b: {  	[sflag:s7] =	ssyncadd.s32 $0xFFFEC780  }
0x1c: {  	[hbm4b:s8+s3] =	stream.linear.scatter [tilespmem:s6], [sflag:$0x2], $0x13880, $0x38;
	[tilespmem:$0x14C08] =	vst v63  }
0x1d: {  	_ =	swait.ge [sflag:s4], $0x13880  }
0x1e: {  	[sflag:s4] =	ssyncset.done $0x0  }
.LBB2_2:
0x1f: {  	[sflag:s4] =	ssyncadd.s32 $0xFFFEC780  }
0x20: {  	_ =	sfence.sel $0x180000  }
0x21: {  	[bflag:$0x0] =	sbarrier.arrive $0xFFFF  }
0x22: {  	p0 =	sne.s32 s0, $0x0;
	_ =	strace $0x90000047  }
0x23: {  	s0 =	sadd.s32 @!p0 $0x100000, s1;
	[bflag:$0x2] =	sbarrier.arrive $0xFFFF  }
0x24: {  	[sflag:s0] =	ssyncadd.tile.s32 @!p0 $0x1;
	_ =	shalt  }
.Lfunc_end2:
_tile_overlayer_lowered:
.L_overlay_start_2:
0x25: {  	(tag) =	ssettag $0x2  }
0x26: {  	s0 =	rddreg [dreg:$0x0];
	s2 =	stileid.u32  }
0x27: {  	s1 =	rddreg [dreg:$0x1];
	p0 =	sne.s32 s2, $0x0  }
0x28: {  	s3 =	rddreg [dreg:$0x2];
	[bflag:$0x3] =	sbarrier.arrive $0xFFFF;
	s2 =	simm.s32 @!p0 $0x1C02  }
0x29: {  	[timem:s3], [sflag:s2] =	dma.local @!p0 [hbm:s0], s1  }
0x2a: {  	s0 =	simm.s32 @!p0 $0x2  }
0x2b: {  	_ =	swait.ge @!p0 [sflag:s0], s1  }
0x2c: {  	s1 =	ssub.s32 @!p0 $0x0, s1;
	[sflag:s0] =	ssyncset.done @!p0 $0x0  }
0x2d: {  	[sflag:s0] =	ssyncadd.s32 @!p0 s1  }
0x2e: {  	[bflag:$0x3] =	sbarrier.arrive $0xFFFF  }
0x2f: {  	_ =	shalt  }

// kernel: kernel.9.cloned.1.call-start
scs
__scs_entry_jumppad:
0x0: {  	(pc) =	sbr.rel $0x88, $3  }
0x1: {  	(tag) =	ssettag $0x0;
	lr =	simm.s32 $0x1  }
0x2: {  	[smem:$0x3F9A] =	sst lr;
	_ =	strace $0xD0000000  }
0x3: {  	_ = 	snop  }
0x4: {  	_ = 	snop  }
0x5: {  	_ = 	snop  }
0x6: {  	_ = 	snop  }
0x7: {  	_ = 	snop  }
__scs_overlays_trampoline_lowered:
0x8: {  	[smem:$0x3FA9] =	sst s0  }
0x9: {  	[smem:$0x3FAA] =	sst s1  }
0xa: {  	[smem:$0x3FAB] =	sst s2  }
0xb: {  	[smem:$0x3FAC] =	sst s3  }
0xc: {  	[smem:$0x3FAD] =	sst s4  }
0xd: {  	[smem:$0x3FAE] =	sst s5  }
0xe: {  	[smem:$0x3FAF] =	sst s6  }
0xf: {  	[smem:$0x3FB0] =	sst s7  }
0x10: {  	[smem:$0x3FB1] =	sst s8  }
0x11: {  	[smem:$0x3FB2] =	sst s9;
	s0 =	simm.s32 @!p0 $0x0  }
0x12: {  	s1 =	sld [smem:$0x3F98];
	s0 =	simm.s32 @p0 $0x1  }
0x13: {  	[smem:$0x3FB3] =	sst s0;
	s0 =	simm.s32 @!p1 $0x0  }
0x14: {  	s2 =	sld [smem:$0x3F97];
	s0 =	simm.s32 @p1 $0x1  }
0x15: {  	[smem:$0x3FB4] =	sst s0;
	s0 =	simm.s32 @!p2 $0x0  }
0x16: {  	s3 =	sld [smem:$0x3FDB];
	s0 =	simm.s32 @p2 $0x1  }
0x17: {  	s4 =	simm.s32 $0x1BF5;
	[smem:$0x3FB6] =	sst s0  }
0x18: {  	s0 =	sld [smem:$0x3F99];
	_ =	swait.ge [sflag:s4], $0x0  }
0x19: {  	s7 =	sld [smem:$0x3F9A]  }
0x1a: {  	s8 =	sadd.s32 $0xFFFFE003, lr  }
0x1b: {  	s9 =	sadd.s32 $0xFFFFFEF7, lr;
	s5 =	simm.s32 $0xFFFFFFFF;
	p2 =	slt.u32 s8, $0xFFFFF086  }
0x1c: {  	p1 =	slt.u32 s9, $0xF7A;
	s5 =	simm.s32 @!p2 $0x0  }
0x1d: {  	s5 =	simm.s32 @p1 $0x1;
	p0 =	seq.s32 s7, s2  }
0x1e: {  	s7 =	smul.u32 @!p0 $0xF7A, s2;
	p2 =	seq.s32 @!p0 s5, $0x0  }
0x1f: {  	s9 =	smul.u32 $0xF7A, s1;
	s8 =	simm.s32 @!p0 $0x1BF5;
	p2 =	por !p2, p0  }
0x20: {  	[sflag:s8] =	ssyncset.s32 @!p0 $0xFFFFF086;
	s6 =	sadd.s32 @!p0 s3, s7;
	s7 =	simm.s32 @!p0 $0x108  }
0x21: {  	s3 =	sadd.s32 s3, s9;
	s6 =	sadd.s32 @!p0 $0x88, s6;
	s7 =	simm.s32 @p2 $0x1082  }
0x22: {  	[simem:s7], [sflag:s8] =	dma.local @!p0 [hbm:s6], $0xF7A  }
0x23: {  	s9 =	sor.u32 $0xD0000000, s2;
	s6 =	simm.s32 $0x108;
	_ =	swait.ge @!p0 [sflag:s8], $0x0  }
0x24: {  	s3 =	sadd.s32 $0x88, s3;
	s6 =	simm.s32 @!p1 $0x1082;
	[sflag:s4] =	ssyncset.s32 $0xFFFFF086  }
0x25: {  	[simem:s6], [sflag:s4] =	dma.local [hbm:s3], $0xF7A  }
0x26: {  	[smem:$0x3F9A] =	sst s1;
	(tag) =	ssettag s2;
	_ =	strace s9  }
0x27: {  	s1 =	sld [smem:$0x3FAA]  }
0x28: {  	s2 =	sld [smem:$0x3FAB]  }
0x29: {  	s4 =	sld [smem:$0x3FAD]  }
0x2a: {  	p0 =	seq.s32 s5, $0x0;
	s5 =	sld [smem:$0x3FAE]  }
0x2b: {  	s6 =	sld [smem:$0x3FAF]  }
0x2c: {  	s7 =	sld [smem:$0x3FB0]  }
0x2d: {  	s3 =	simm.s32 $0x108;
	s8 =	sld [smem:$0x3FB1]  }
0x2e: {  	s3 =	simm.s32 @!p0 $0x1082;
	s9 =	sld [smem:$0x3FB2]  }
0x2f: {  	lr =	sadd.s32 s0, s3;
	s0 =	sld [smem:$0x3FA9]  }
0x30: {  	s3 =	sld [smem:$0x3FAC]  }
0x31: {  	[smem:$0x3FB5] =	sst s10  }
0x32: {  	s10 =	sld [smem:$0x3FB3];
	_ =	sdelay $0x3  }
0x33: {  	p0 =	seq.s32 s10, $0x1;
	s10 =	sld [smem:$0x3FB5];
	_ =	sdelay $0x3  }
0x34: {  	[smem:$0x3FB5] =	sst s10  }
0x35: {  	s10 =	sld [smem:$0x3FB4];
	_ =	sdelay $0x3  }
0x36: {  	p1 =	seq.s32 s10, $0x1;
	s10 =	sld [smem:$0x3FB5];
	_ =	sdelay $0x3  }
0x37: {  	[smem:$0x3FB5] =	sst s10  }
0x38: {  	s10 =	sld [smem:$0x3FB6]  }
0x39: {  	_ = 	snop;
	(pc) =	sbr.ind lr, $3  }
0x3a: {  	_ = 	snop  }
0x3b: {  	_ = 	snop  }
0x3c: {  	p2 =	seq.s32 s10, $0x1;
	s10 =	sld [smem:$0x3FB5]  }
0x3d: {  	_ =	shalt  }
0x3e: {  	_ =	shalt  }
0x3f: {  	_ =	shalt  }
0x40: {  	_ =	shalt  }
0x41: {  	_ =	shalt  }
0x42: {  	_ =	shalt  }
0x43: {  	_ =	shalt  }
0x44: {  	_ =	shalt  }
0x45: {  	_ =	shalt  }
0x46: {  	_ =	shalt  }
0x47: {  	_ =	shalt  }
0x48: {  	_ =	shalt  }
0x49: {  	_ =	shalt  }
0x4a: {  	_ =	shalt  }
0x4b: {  	_ =	shalt  }
0x4c: {  	_ =	shalt  }
0x4d: {  	_ =	shalt  }
0x4e: {  	_ =	shalt  }
0x4f: {  	_ =	shalt  }
0x50: {  	_ =	shalt  }
0x51: {  	_ =	shalt  }
0x52: {  	_ =	shalt  }
0x53: {  	_ =	shalt  }
0x54: {  	_ =	shalt  }
0x55: {  	_ =	shalt  }
0x56: {  	_ =	shalt  }
0x57: {  	_ =	shalt  }
0x58: {  	_ =	shalt  }
0x59: {  	_ =	shalt  }
0x5a: {  	_ =	shalt  }
0x5b: {  	_ =	shalt  }
0x5c: {  	_ =	shalt  }
0x5d: {  	_ =	shalt  }
0x5e: {  	_ =	shalt  }
0x5f: {  	_ =	shalt  }
0x60: {  	_ =	shalt  }
0x61: {  	_ =	shalt  }
0x62: {  	_ =	shalt  }
0x63: {  	_ =	shalt  }
0x64: {  	_ =	shalt  }
0x65: {  	_ =	shalt  }
0x66: {  	_ =	shalt  }
0x67: {  	_ =	shalt  }
0x68: {  	_ =	shalt  }
0x69: {  	_ =	shalt  }
0x6a: {  	_ =	shalt  }
0x6b: {  	_ =	shalt  }
0x6c: {  	_ =	shalt  }
0x6d: {  	_ =	shalt  }
0x6e: {  	_ =	shalt  }
0x6f: {  	_ =	shalt  }
0x70: {  	_ =	shalt  }
0x71: {  	_ =	shalt  }
0x72: {  	_ =	shalt  }
0x73: {  	_ =	shalt  }
0x74: {  	_ =	shalt  }
0x75: {  	_ =	shalt  }
0x76: {  	_ =	shalt  }
0x77: {  	_ =	shalt  }
0x78: {  	_ =	shalt  }
0x79: {  	_ =	shalt  }
0x7a: {  	_ =	shalt  }
0x7b: {  	_ =	shalt  }
0x7c: {  	_ =	shalt  }
0x7d: {  	_ =	shalt  }
0x7e: {  	_ =	shalt  }
0x7f: {  	_ =	shalt  }
0x80: {  	_ =	shalt  }
0x81: {  	_ =	shalt  }
0x82: {  	_ =	shalt  }
0x83: {  	_ =	shalt  }
0x84: {  	_ =	shalt  }
0x85: {  	_ =	shalt  }
0x86: {  	_ =	shalt  }
0x87: {  	_ =	shalt  }
.Lfunc_end0:
.L_simem_size_0:
called_computation.1_lowered:
.L_overlay_start_0:
0x88: {  	s2 =	sld [smem:$0x3FD9]  }
0x89: {  	s3 =	sld [smem:$0x3FFE];
	_ =	sdelay $0x1  }
0x8a: {  	s1 =	srdreg.scid  }
0x8b: {  	s0 =	sand.u32 $0x1, s1  }
0x8c: {  	s16 =	sshll.u32 s0, $0xA;
	s2 =	sadd.s32 s3, s2  }
0x8d: {  	s2 =	sadd.s32 s2, s16  }
0x8e: {  	[smem:$0x3FC1] =	sst s2  }
0x8f: {  	_ = 	snop  }
0x90: {  	(tm) =	ssettm $0x1  }
0x91: {  	s17 =	sld [smem:$0x3FFB];
	_ =	sdelay $0x3  }
0x92: {  	_ =	strace s17  }
0x93: {  	s2 =	sld [smem:$0x3FFC];
	_ =	sdelay $0x3  }
0x94: {  	_ =	strace s2  }
0x95: {  	s2 =	sld [smem:$0x3FFD];
	_ =	sdelay $0x3  }
0x96: {  	_ =	strace s2  }
0x97: {  	_ =	strace $0x8FFFFFFF  }
0x98: {  	s18 =	sld [smem:$0x3FDB];
	_ =	sdelay $0x1  }
0x99: {  	s19 =	simm.s32 $_scs_section_size  }
0x9a: {  	s4 =	simm.s32 $_size__tile_overlayer_lowered;
	s5 =	simm.s32 $_tile_overlayer_lowered  }
0x9b: {  	s22 =	simm.s32 $0x1BFF;
	s21 =	sshll.u32 s5, $0x1;
	s2 =	sadd.s32 s19, s18  }
0x9c: {  	s6 =	simm.s32 $0x0;
	s20 =	sshll.u32 s4, $0x1;
	s4 =	sadd.s32 s21, s2  }
0x9d: {  	[timem:s6], [sflag:s22] =	dma.local [hbm:s4], s20  }
0x9e: {  	_ =	swait.ge [sflag:s22], s20  }
0x9f: {  	s3 =	ssub.s32 $0x0, s20;
	[sflag:s22] =	ssyncset.done $0x0  }
0xa0: {  	[sflag:s22] =	ssyncadd.s32 s3;
	_ =	sdelay $0x1  }
0xa1: {  	s23 =	simm.s32 $0x1B8B  }
0xa2: {  	_ =	swait.ge [sflag:s23], $0x1  }
0xa3: {  	[sflag:s23] =	ssyncset.done $0x0  }
0xa4: {  	s25 =	simm.s32 $0x1B8E;
	s24 =	sld [smem:$0x3FFE];
	[sflag:s23] =	ssyncadd.s32 $0xFFFFFFFF  }
0xa5: {  	s26 =	simm.s32 $execute0_lowered;
	[smem:$0x3FD2] =	sst s25  }
0xa6: {  	s4 =	sshll.u32 s26, $0x1;
	_ =	strace $0x80000049;
	[dreg:$0x1] =	wrdreg $0xFFFFFFFF  }
0xa7: {  	s28 =	simm.s32 $_size_execute0_lowered;
	s2 =	sadd.s32 s2, s4;
	[dreg:$0x0] =	wrdreg $0x0  }
0xa8: {  	s4 =	sshll.u32 s28, $0x1;
	[dreg:$0x2] =	wrdreg s2  }
0xa9: {  	[dreg:$0x3] =	wrdreg s4  }
0xaa: {  	[dreg:$0x4] =	wrdreg $0xC0  }
0xab: {  	_ =	task [dreg:s6], $0x5FFFF  }
0xac: {  	[dreg:$0x1] =	wrdreg $0xFFFFFFFF  }
0xad: {  	[dreg:$0x0] =	wrdreg $0x60  }
0xae: {  	[dreg:$0x2] =	wrdreg s24  }
0xaf: {  	[dreg:$0x3] =	wrdreg $0x0  }
0xb0: {  	[dreg:$0x4] =	wrdreg $0x9  }
0xb1: {  	_ =	task.clear_ibuf [dreg:s6], $0x5FFFF;
	_ =	strace $0x90000049  }
0xb2: {  	s29 =	simm.s32 $0x9;
	_ =	strace $0x8000004B  }
0xb3: {  	_ =	swait.ge [sflag:s29], $0x1  }
0xb4: {  	[sflag:s29] =	ssyncadd.s32 $0xFFFFFFFF  }
0xb5: {  	_ =	strace $0x9000004B  }
0xb6: {  	_ =	sfence  }
0xb7: {  	s30 =	sld [smem:$0x0];
	_ =	sdelay $0x2  }
0xb8: {  	s31 =	sshll.u32 s1, $0xD;
	s1 =	sshrl.u32 s1, $0x2  }
0xb9: {  	s3 =	sand.u32 $0x4000, s31;
	s1 =	sadd.s32 s1, s30  }
0xba: {  	s0 =	sor.u32 s3, s0;
	s1 =	sshll.u32 s1, $0x11  }
0xbb: {  	s0 =	sor.u32 s1, s0  }
0xbc: {  	s0 =	sadd.s32 $0x8F2B, s0  }
0xbd: {  	[sflag:s0] =	ssyncadd.remote.s32 $0x1  }
0xbe: {  	_ =	sfence.sel $0xFFFF  }
0xbf: {  	[dreg:$0x0] =	wrdreg $0xFFFFFFFF;
	(pc) =	sbr.abs _section_cstart, $3  }
0xc0: {  	[dreg:$0x1] =	wrdreg $0xFFFFFFFF  }
0xc1: {  	_ =	task.clear_ibuf [dreg:s6], $0x2FFFF;
	_ =	strace $0x9FFFFFFF  }
0xc2: {  	(tm) =	ssettm $0x7FFFFFFF  }
0xc3: {  	_ =	shalt  }
tec
execute0_lowered:
.L_overlay_start_1:
0x0: {  	(tag) =	ssettag $0x1  }
0x1: {  	s21 =	rddreg [dreg:$0x0]  }
0x2: {  	s2 =	rddreg [dreg:$0x1]  }
0x3: {  	s0 =	rddreg [dreg:$0x2];
	s3 =	simm.s32 $0x0;
	s4 =	srdreg.scid  }
0x4: {  	s1 =	stileid.u32;
	[smem:$0x7FF] =	sst s3  }
0x5: {  	s22 =	sand.u32 $0x1, s4;
	s30 =	sshll.u32 s1, $0x1;
	s23 =	smul.u32 $0x4E20, s1  }
0x6: {  	s5 =	sshll.u32 s1, $0x6;
	s4 =	sadd.s32 $0xA8A00, s21;
	_ =	strace $0x8000004A  }
0x7: {  	s8 =	sor.u32 s22, s30;
	s5 =	sor.u32 $0x1C01, s5;
	s6 =	sadd.s32 s23, s2  }
0x8: {  	s17 =	smul.u32 $0x1388, s8;
	s7 =	sshrl.u32 s6, $0x3;
	s6 =	simm.s32 $0x1  }
0x9: {  	[spmem:s7], [sflag:s5] =	dma.local [hbm:s4], $0x9C4  }
0xa: {  	_ =	swait.ge [sflag:s6], $0x9C4  }
0xb: {  	s18 =	sadd.s32 $0x2800, s21;
	s9 =	sshrl.u32 s17, $0x3;
	[sflag:s6] =	ssyncset.done $0x0  }
0xc: {  	s10 =	smul.u32 $0x4E20, s8;
	s19 =	sadd.s32 s18, s9;
	[sflag:s6] =	ssyncadd.s32 $0xFFFFF63C  }
0xd: {  	s9 =	simm.s32 $0x4E20;
	s8 =	sadd.s32 $0x4E20, s19;
	[bflag:$0x0] =	sbarrier.arrive $0xFFFF  }
0xe: {  	[tilespmem:s9], [sflag:$0x1] =	stream.linear.gather [hbm4b:s8+s3], $0x3E8, $0x38;
	[tilespmem:$0xCF08] =	vst v63  }
0xf: {  	_ =	swait.ge [sflag:s6], $0x3E8  }
0x10: {  	s20 =	sadd.s32 s10, s21;
	[sflag:s6] =	ssyncset.done $0x0  }
0x11: {  	s11 =	simm.s32 $0x5208;
	s10 =	sadd.s32 $0xC600, s20;
	[sflag:s6] =	ssyncadd.s32 $0xFFFFFC18  }
0x12: {  	[tilespmem:s11], [sflag:$0x1] =	stream.linear.gather [hbm4b:s10+s3], $0x7D00, $0x38;
	[tilespmem:$0xCF08] =	vst v63  }
0x13: {  	_ =	swait.ge [sflag:s6], $0x7D00  }
0x14: {  	[sflag:s6] =	ssyncset.done $0x0  }
0x15: {  	s12 =	simm.s32 $0x3E8;
	[sflag:s6] =	ssyncadd.s32 $0xFFFF8300  }
0x16: {  	[spmem:s2] =	stream.indirect.scatter.add.f32 [tilespmem:s11], [sflag:$0x1], $0x20, s9, s12, $0xb8;
	[tilespmem:$0xCF08] =	vst v63  }
0x17: {  	s13 =	sadd.s32 $0x274E8, s17;
	_ =	swait.ge [sflag:s6], $0x7D00  }
0x18: {  	s13 =	sshrl.u32 s13, $0x3;
	[sflag:s6] =	ssyncset.done $0x0  }
0x19: {  	s13 =	sadd.s32 s18, s13;
	[sflag:s6] =	ssyncadd.s32 $0xFFFF8300  }
0x1a: {  	[tilespmem:s9], [sflag:$0x1] =	stream.linear.gather [hbm4b:s13+s3], $0x3E8, $0x38;
	[tilespmem:$0xCF08] =	vst v63  }
0x1b: {  	_ =	swait.ge [sflag:s6], $0x3E8  }
0x1c: {  	[sflag:s6] =	ssyncset.done $0x0  }
0x1d: {  	s14 =	sadd.s32 $0xD5A0, s20;
	[sflag:s6] =	ssyncadd.s32 $0xFFFFFC18  }
0x1e: {  	[tilespmem:s11], [sflag:$0x1] =	stream.linear.gather [hbm4b:s14+s3], $0x7D00, $0x38;
	[tilespmem:$0xCF08] =	vst v63  }
0x1f: {  	_ =	swait.ge [sflag:s6], $0x7D00  }
0x20: {  	[sflag:s6] =	ssyncset.done $0x0  }
0x21: {  	[sflag:s6] =	ssyncadd.s32 $0xFFFF8300  }
0x22: {  	[spmem:s2] =	stream.indirect.scatter.add.f32 [tilespmem:s11], [sflag:$0x1], $0x20, s9, s12, $0xb8;
	[tilespmem:$0xCF08] =	vst v63  }
0x23: {  	_ =	swait.ge [sflag:s6], $0x7D00  }
0x24: {  	[sflag:s6] =	ssyncset.done $0x0  }
0x25: {  	s15 =	sadd.s32 $0x4F1A, s19;
	[sflag:s6] =	ssyncadd.s32 $0xFFFF8300  }
0x26: {  	[tilespmem:s9], [sflag:$0x1] =	stream.linear.gather [hbm4b:s15+s3], $0x3E8, $0x38;
	[tilespmem:$0xCF08] =	vst v63  }
0x27: {  	_ =	swait.ge [sflag:s6], $0x3E8  }
0x28: {  	[sflag:s6] =	ssyncset.done $0x0  }
0x29: {  	s16 =	sadd.s32 $0xE540, s20;
	[sflag:s6] =	ssyncadd.s32 $0xFFFFFC18  }
0x2a: {  	[tilespmem:s11], [sflag:$0x1] =	stream.linear.gather [hbm4b:s16+s3], $0x7D00, $0x38;
	[tilespmem:$0xCF08] =	vst v63  }
0x2b: {  	_ =	swait.ge [sflag:s6], $0x7D00  }
0x2c: {  	[sflag:s6] =	ssyncset.done $0x0  }
0x2d: {  	[sflag:s6] =	ssyncadd.s32 $0xFFFF8300  }
0x2e: {  	[spmem:s2] =	stream.indirect.scatter.add.f32 [tilespmem:s11], [sflag:$0x1], $0x20, s9, s12, $0xb8;
	[tilespmem:$0xCF08] =	vst v63  }
0x2f: {  	s17 =	sadd.s32 $0x27CB8, s17;
	_ =	swait.ge [sflag:s6], $0x7D00  }
0x30: {  	s17 =	sshrl.u32 s17, $0x3;
	[sflag:s6] =	ssyncset.done $0x0  }
0x31: {  	s17 =	sadd.s32 s18, s17;
	[sflag:s6] =	ssyncadd.s32 $0xFFFF8300  }
0x32: {  	[tilespmem:s9], [sflag:$0x1] =	stream.linear.gather [hbm4b:s17+s3], $0x3E8, $0x38;
	[tilespmem:$0xCF08] =	vst v63  }
0x33: {  	_ =	swait.ge [sflag:s6], $0x3E8  }
0x34: {  	[sflag:s6] =	ssyncset.done $0x0  }
0x35: {  	s18 =	sadd.s32 $0xF4E0, s20;
	[sflag:s6] =	ssyncadd.s32 $0xFFFFFC18  }
0x36: {  	[tilespmem:s11], [sflag:$0x1] =	stream.linear.gather [hbm4b:s18+s3], $0x7D00, $0x38;
	[tilespmem:$0xCF08] =	vst v63  }
0x37: {  	_ =	swait.ge [sflag:s6], $0x7D00  }
0x38: {  	[sflag:s6] =	ssyncset.done $0x0  }
0x39: {  	[sflag:s6] =	ssyncadd.s32 $0xFFFF8300  }
0x3a: {  	[spmem:s2] =	stream.indirect.scatter.add.f32 [tilespmem:s11], [sflag:$0x1], $0x20, s9, s12, $0xb8;
	[tilespmem:$0xCF08] =	vst v63  }
0x3b: {  	_ =	swait.ge [sflag:s6], $0x7D00  }
0x3c: {  	[sflag:s6] =	ssyncset.done $0x0  }
0x3d: {  	s19 =	sadd.s32 $0x5014, s19;
	[sflag:s6] =	ssyncadd.s32 $0xFFFF8300  }
0x3e: {  	[tilespmem:s9], [sflag:$0x1] =	stream.linear.gather [hbm4b:s19+s3], $0x3E8, $0x38;
	[tilespmem:$0xCF08] =	vst v63  }
0x3f: {  	_ =	swait.ge [sflag:s6], $0x3E8  }
0x40: {  	[sflag:s6] =	ssyncset.done $0x0  }
0x41: {  	s20 =	sadd.s32 $0x10480, s20;
	[sflag:s6] =	ssyncadd.s32 $0xFFFFFC18  }
0x42: {  	[tilespmem:s11], [sflag:$0x1] =	stream.linear.gather [hbm4b:s20+s3], $0x7D00, $0x38;
	[tilespmem:$0xCF08] =	vst v63  }
0x43: {  	s24 =	smul.u32 $0x4E200, s22;
	s22 =	ssub.s32 $0x2, s22;
	_ =	swait.ge [sflag:s6], $0x7D00  }
0x44: {  	s31 =	sshrl.u32 s22, $0x1;
	[sflag:s6] =	ssyncset.done $0x0  }
0x45: {  	s22 =	ssub.s32 s22, s31;
	[sflag:s6] =	ssyncadd.s32 $0xFFFF8300  }
0x46: {  	[spmem:s2] =	stream.indirect.scatter.add.f32 [tilespmem:s11], [sflag:$0x1], $0x20, s9, s12, $0xb8;
	[tilespmem:$0xCF08] =	vst v63  }
0x47: {  	s23 =	sadd.s32 s23, s24;
	s22 =	smax.u32 s22, $0x1;
	_ =	swait.ge [sflag:s6], $0x7D00  }
0x48: {  	s23 =	sshrl.u32 s23, $0x3;
	p0 =	sne.s32 s22, $0x1;
	[sflag:s6] =	ssyncset.done $0x0  }
.Ltmp0:
0x49: {  	s21 =	sadd.s32 s23, s21;
	[sflag:s6] =	ssyncadd.s32 $0xFFFF8300;
	(pc) =	sbr.rel @!p0 .LBB2_2-.Ltmp0, $4  }
0x4a: {  	s21 =	sadd.s32 $0xA9400, s21;
	[bflag:$0x0] =	sbarrier.arrive $0xFFFF  }
0x4b: {  	[hbm:s21], [sflag:s5] =	dma.local [spmem:s7], $0x9C4  }
0x4c: {  	_ =	swait.ge [sflag:s6], $0x9C4  }
0x4d: {  	s22 =	sadd.s32 $0xFFFFFFFF, s22;
	[sflag:s6] =	ssyncset.done $0x0  }
.LBB2_1:
0x4e: {  	p0 =	sne.s32 s22, $0x1;
	s22 =	sadd.s32 $0xFFFFFFFF, s22;
	[sflag:s6] =	ssyncadd.s32 $0xFFFFF63C  }
0x4f: {  	[spmem:s7], [sflag:s5] =	dma.local [hbm:s4], $0x9C4  }
0x50: {  	_ =	swait.ge [sflag:s6], $0x9C4  }
0x51: {  	[sflag:s6] =	ssyncset.done $0x0  }
0x52: {  	[sflag:s6] =	ssyncadd.s32 $0xFFFFF63C  }
0x53: {  	[bflag:$0x0] =	sbarrier.arrive $0xFFFF  }
0x54: {  	[tilespmem:s9], [sflag:$0x1] =	stream.linear.gather [hbm4b:s8+s3], $0x3E8, $0x38;
	[tilespmem:$0xCF08] =	vst v63  }
0x55: {  	_ =	swait.ge [sflag:s6], $0x3E8  }
0x56: {  	[sflag:s6] =	ssyncset.done $0x0  }
0x57: {  	[sflag:s6] =	ssyncadd.s32 $0xFFFFFC18  }
0x58: {  	[tilespmem:s11], [sflag:$0x1] =	stream.linear.gather [hbm4b:s10+s3], $0x7D00, $0x38;
	[tilespmem:$0xCF08] =	vst v63  }
0x59: {  	_ =	swait.ge [sflag:s6], $0x7D00  }
0x5a: {  	[sflag:s6] =	ssyncset.done $0x0  }
0x5b: {  	[sflag:s6] =	ssyncadd.s32 $0xFFFF8300  }
0x5c: {  	[spmem:s2] =	stream.indirect.scatter.add.f32 [tilespmem:s11], [sflag:$0x1], $0x20, s9, s12, $0xb8;
	[tilespmem:$0xCF08] =	vst v63  }
0x5d: {  	_ =	swait.ge [sflag:s6], $0x7D00  }
0x5e: {  	[sflag:s6] =	ssyncset.done $0x0  }
0x5f: {  	[sflag:s6] =	ssyncadd.s32 $0xFFFF8300  }
0x60: {  	[tilespmem:s9], [sflag:$0x1] =	stream.linear.gather [hbm4b:s13+s3], $0x3E8, $0x38;
	[tilespmem:$0xCF08] =	vst v63  }
0x61: {  	_ =	swait.ge [sflag:s6], $0x3E8  }
0x62: {  	[sflag:s6] =	ssyncset.done $0x0  }
0x63: {  	[sflag:s6] =	ssyncadd.s32 $0xFFFFFC18  }
0x64: {  	[tilespmem:s11], [sflag:$0x1] =	stream.linear.gather [hbm4b:s14+s3], $0x7D00, $0x38;
	[tilespmem:$0xCF08] =	vst v63  }
0x65: {  	_ =	swait.ge [sflag:s6], $0x7D00  }
0x66: {  	[sflag:s6] =	ssyncset.done $0x0  }
0x67: {  	[sflag:s6] =	ssyncadd.s32 $0xFFFF8300  }
0x68: {  	[spmem:s2] =	stream.indirect.scatter.add.f32 [tilespmem:s11], [sflag:$0x1], $0x20, s9, s12, $0xb8;
	[tilespmem:$0xCF08] =	vst v63  }
0x69: {  	_ =	swait.ge [sflag:s6], $0x7D00  }
0x6a: {  	[sflag:s6] =	ssyncset.done $0x0  }
0x6b: {  	[sflag:s6] =	ssyncadd.s32 $0xFFFF8300  }
0x6c: {  	[tilespmem:s9], [sflag:$0x1] =	stream.linear.gather [hbm4b:s15+s3], $0x3E8, $0x38;
	[tilespmem:$0xCF08] =	vst v63  }
0x6d: {  	_ =	swait.ge [sflag:s6], $0x3E8  }
0x6e: {  	[sflag:s6] =	ssyncset.done $0x0  }
0x6f: {  	[sflag:s6] =	ssyncadd.s32 $0xFFFFFC18  }
0x70: {  	[tilespmem:s11], [sflag:$0x1] =	stream.linear.gather [hbm4b:s16+s3], $0x7D00, $0x38;
	[tilespmem:$0xCF08] =	vst v63  }
0x71: {  	_ =	swait.ge [sflag:s6], $0x7D00  }
0x72: {  	[sflag:s6] =	ssyncset.done $0x0  }
0x73: {  	[sflag:s6] =	ssyncadd.s32 $0xFFFF8300  }
0x74: {  	[spmem:s2] =	stream.indirect.scatter.add.f32 [tilespmem:s11], [sflag:$0x1], $0x20, s9, s12, $0xb8;
	[tilespmem:$0xCF08] =	vst v63  }
0x75: {  	_ =	swait.ge [sflag:s6], $0x7D00  }
0x76: {  	[sflag:s6] =	ssyncset.done $0x0  }
0x77: {  	[sflag:s6] =	ssyncadd.s32 $0xFFFF8300  }
0x78: {  	[tilespmem:s9], [sflag:$0x1] =	stream.linear.gather [hbm4b:s17+s3], $0x3E8, $0x38;
	[tilespmem:$0xCF08] =	vst v63  }
0x79: {  	_ =	swait.ge [sflag:s6], $0x3E8  }
0x7a: {  	[sflag:s6] =	ssyncset.done $0x0  }
0x7b: {  	[sflag:s6] =	ssyncadd.s32 $0xFFFFFC18  }
0x7c: {  	[tilespmem:s11], [sflag:$0x1] =	stream.linear.gather [hbm4b:s18+s3], $0x7D00, $0x38;
	[tilespmem:$0xCF08] =	vst v63  }
0x7d: {  	_ =	swait.ge [sflag:s6], $0x7D00  }
0x7e: {  	[sflag:s6] =	ssyncset.done $0x0  }
0x7f: {  	[sflag:s6] =	ssyncadd.s32 $0xFFFF8300  }
0x80: {  	[spmem:s2] =	stream.indirect.scatter.add.f32 [tilespmem:s11], [sflag:$0x1], $0x20, s9, s12, $0xb8;
	[tilespmem:$0xCF08] =	vst v63  }
0x81: {  	_ =	swait.ge [sflag:s6], $0x7D00  }
0x82: {  	[sflag:s6] =	ssyncset.done $0x0  }
0x83: {  	[sflag:s6] =	ssyncadd.s32 $0xFFFF8300  }
0x84: {  	[tilespmem:s9], [sflag:$0x1] =	stream.linear.gather [hbm4b:s19+s3], $0x3E8, $0x38;
	[tilespmem:$0xCF08] =	vst v63  }
0x85: {  	_ =	swait.ge [sflag:s6], $0x3E8  }
0x86: {  	[sflag:s6] =	ssyncset.done $0x0  }
0x87: {  	[sflag:s6] =	ssyncadd.s32 $0xFFFFFC18  }
0x88: {  	[tilespmem:s11], [sflag:$0x1] =	stream.linear.gather [hbm4b:s20+s3], $0x7D00, $0x38;
	[tilespmem:$0xCF08] =	vst v63  }
0x89: {  	_ =	swait.ge [sflag:s6], $0x7D00  }
0x8a: {  	[sflag:s6] =	ssyncset.done $0x0  }
0x8b: {  	[sflag:s6] =	ssyncadd.s32 $0xFFFF8300  }
0x8c: {  	[spmem:s2] =	stream.indirect.scatter.add.f32 [tilespmem:s11], [sflag:$0x1], $0x20, s9, s12, $0xb8;
	[tilespmem:$0xCF08] =	vst v63  }
0x8d: {  	_ =	swait.ge [sflag:s6], $0x7D00  }
0x8e: {  	[sflag:s6] =	ssyncset.done $0x0  }
.Ltmp1:
0x8f: {  	[sflag:s6] =	ssyncadd.s32 $0xFFFF8300;
	(pc) =	sbr.rel @p0 .LBB2_1-.Ltmp1, $4  }
0x90: {  	[bflag:$0x0] =	sbarrier.arrive $0xFFFF  }
0x91: {  	[hbm:s21], [sflag:s5] =	dma.local [spmem:s7], $0x9C4  }
0x92: {  	_ =	swait.ge [sflag:s6], $0x9C4  }
0x93: {  	[sflag:s6] =	ssyncset.done $0x0  }
.LBB2_2:
0x94: {  	[sflag:s6] =	ssyncadd.s32 $0xFFFFF63C  }
0x95: {  	_ =	sfence.sel $0x180000  }
0x96: {  	[bflag:$0x0] =	sbarrier.arrive $0xFFFF  }
0x97: {  	p0 =	sne.s32 s1, $0x0;
	_ =	strace $0x9000004A  }
0x98: {  	s0 =	sadd.s32 @!p0 $0x100000, s0;
	[bflag:$0x2] =	sbarrier.arrive $0xFFFF  }
0x99: {  	[sflag:s0] =	ssyncadd.tile.s32 @!p0 $0x1;
	_ =	shalt  }
.Lfunc_end2:
_tile_overlayer_lowered:
.L_overlay_start_2:
0x9a: {  	(tag) =	ssettag $0x2  }
0x9b: {  	s0 =	rddreg [dreg:$0x0];
	s2 =	stileid.u32  }
0x9c: {  	s1 =	rddreg [dreg:$0x1];
	p0 =	sne.s32 s2, $0x0  }
0x9d: {  	s3 =	rddreg [dreg:$0x2];
	[bflag:$0x3] =	sbarrier.arrive $0xFFFF;
	s2 =	simm.s32 @!p0 $0x1C01  }
0x9e: {  	[timem:s3], [sflag:s2] =	dma.local @!p0 [hbm:s0], s1  }
0x9f: {  	s0 =	simm.s32 @!p0 $0x1  }
0xa0: {  	_ =	swait.ge @!p0 [sflag:s0], s1  }
0xa1: {  	s1 =	ssub.s32 @!p0 $0x0, s1;
	[sflag:s0] =	ssyncset.done @!p0 $0x0  }
0xa2: {  	[sflag:s0] =	ssyncadd.s32 @!p0 s1  }
0xa3: {  	[bflag:$0x3] =	sbarrier.arrive $0xFFFF  }
0xa4: {  	_ =	shalt  }

</sc_bundles>
